<compile_context>
chip_gen: v7x
topology: tpu7x:2x2x1
jax: 0.10.2.dev20260603
libtpu: 0.0.44.dev20260713+nightly
codegen_flags: <defaults>
</compile_context>

<pallas_src>
import functools

import jax
import jax.numpy as jnp
from jax import lax
from jax.experimental import pallas as pl
from jax.experimental.pallas import tpu as pltpu
from jax.experimental.pallas import tpu_sc as plsc

N = 10000
E = 320000
D = 128
C = 64
L = 4

NCORE = 2
NSUB = 16
NP = 10240
RT = NP // NSUB
CH = C // NCORE
K = 128
NCHUNK = 157
EPAD = NSUB * NCHUNK * K
EW = E // (NCORE * NSUB)

_mesh = plsc.VectorSubcoreMesh(core_axis_name="c", subcore_axis_name="s")
_params = pltpu.CompilerParams(
    needs_layout_passes=False, use_tc_tiling_on_sc=False)


def _deg_body(row_hbm, out_hbm, idx_v, hist_v):
    cid = lax.axis_index("c")
    sid = lax.axis_index("s")
    wid = cid * NSUB + sid
    pltpu.sync_copy(row_hbm.at[wid], idx_v)

    def zero_body(i, carry):
        hist_v[pl.ds(i * 16, 16)] = jnp.zeros((16,), jnp.float32)
        return carry

    lax.fori_loop(0, NP // 16, zero_body, 0)

    ones16 = jnp.ones((16,), jnp.float32)

    def acc_body(j, carry):
        idx16 = idx_v[pl.ds(j * 16, 16)]
        plsc.addupdate_scatter(hist_v, [idx16], ones16)
        return carry

    lax.fori_loop(0, EW // 16, acc_body, 0)
    pltpu.sync_copy(hist_v, out_hbm.at[wid])


_deg_kernel = functools.partial(
    pl.kernel,
    out_type=jax.ShapeDtypeStruct((NCORE * NSUB, NP), jnp.float32),
    mesh=_mesh,
    compiler_params=_params,
    scratch_types=[
        pltpu.VMEM((EW,), jnp.int32),
        pltpu.VMEM((NP,), jnp.float32),
    ],
)(_deg_body)


_BR = 256


def _prep_body(x_ref, w_ref, degp_ref, p0_ref, dinv_ref):
    h = jnp.dot(x_ref[...], w_ref[...], preferred_element_type=jnp.float32)
    deg = jnp.sum(degp_ref[...], axis=0)
    dinv = jnp.where(deg > 0.0, lax.rsqrt(deg), 0.0)
    p0 = h * dinv[:, None]
    p0_ref[0] = p0[:, :CH]
    p0_ref[1] = p0[:, CH:]
    dinv_ref[...] = dinv


def _prep_kernel(xp, W, degp):
    return pl.pallas_call(
        _prep_body,
        grid=(NP // _BR,),
        in_specs=[
            pl.BlockSpec((_BR, D), lambda i: (i, 0)),
            pl.BlockSpec((D, C), lambda i: (0, 0)),
            pl.BlockSpec((NCORE * NSUB, _BR), lambda i: (0, i)),
        ],
        out_specs=[
            pl.BlockSpec((NCORE, _BR, CH), lambda i: (0, i, 0)),
            pl.BlockSpec((_BR,), lambda i: (i,)),
        ],
        out_shape=[
            jax.ShapeDtypeStruct((NCORE, NP, CH), jnp.float32),
            jax.ShapeDtypeStruct((NP,), jnp.float32),
        ],
    )(xp, W, degp)


def _prop_body(p0_hbm, row_hbm, col_hbm, dinv_hbm, out_hbm,
               p_sh, s_sh, rows_v, cols_v, gbuf0, gbuf1, pbuf, dinv_v, zbuf,
               sem0, sem1):
    cid = lax.axis_index("c")
    sid = lax.axis_index("s")
    rt = sid * RT

    pltpu.async_copy(row_hbm.at[sid], rows_v, sem0)
    pltpu.async_copy(col_hbm.at[sid], cols_v, sem1)
    pltpu.sync_copy(p0_hbm.at[cid, pl.ds(rt, RT)], p_sh.at[pl.ds(rt, RT)])
    pltpu.sync_copy(dinv_hbm.at[pl.ds(rt, RT)], dinv_v)

    def zero_body(i, carry):
        z = jnp.zeros((16,), jnp.float32)
        zbuf[i, pl.ds(0, 16)] = z
        zbuf[i, pl.ds(16, 16)] = z
        return carry

    lax.fori_loop(0, RT, zero_body, 0)
    pltpu.sync_copy(zbuf, s_sh.at[pl.ds(rt, RT)])
    pltpu.make_async_copy(row_hbm.at[sid], rows_v, sem0).wait()
    pltpu.make_async_copy(col_hbm.at[sid], cols_v, sem1).wait()
    plsc.subcore_barrier()

    for layer in range(L):
        pltpu.async_copy(p_sh.at[rows_v.at[0]], gbuf0, sem0)

        def edge_body(j, carry):
            c0 = 2 * j
            c1 = c0 + 1
            pltpu.async_copy(p_sh.at[rows_v.at[c1]], gbuf1, sem1)
            pltpu.make_async_copy(p_sh.at[rows_v.at[c0]], gbuf0, sem0).wait()
            pltpu.sync_copy(gbuf0, s_sh.at[cols_v.at[c0]], add=True)
            pltpu.async_copy(p_sh.at[rows_v.at[c0 + 2]], gbuf0, sem0)
            pltpu.make_async_copy(p_sh.at[rows_v.at[c1]], gbuf1, sem1).wait()
            pltpu.sync_copy(gbuf1, s_sh.at[cols_v.at[c1]], add=True)
            return carry

        lax.fori_loop(0, NCHUNK // 2, edge_body, 0)
        clast = NCHUNK - 1
        pltpu.make_async_copy(p_sh.at[rows_v.at[clast]], gbuf0, sem0).wait()
        pltpu.sync_copy(gbuf0, s_sh.at[cols_v.at[clast]], add=True)
        plsc.subcore_barrier()

        pltpu.sync_copy(s_sh.at[pl.ds(rt, RT)], pbuf)
        last = layer == L - 1

        def scale_body(i, carry):
            d = plsc.load_gather(dinv_v, [jnp.full((16,), i, jnp.int32)])
            f = d if last else d * d
            pbuf[i, pl.ds(0, 16)] = pbuf[i, pl.ds(0, 16)] * f
            pbuf[i, pl.ds(16, 16)] = pbuf[i, pl.ds(16, 16)] * f
            return carry

        lax.fori_loop(0, RT, scale_body, 0)

        if last:
            pltpu.sync_copy(pbuf, out_hbm.at[pl.ds(rt, RT), pl.ds(cid * CH, CH)])
        else:
            pltpu.sync_copy(pbuf, p_sh.at[pl.ds(rt, RT)])
            pltpu.sync_copy(zbuf, s_sh.at[pl.ds(rt, RT)])
            plsc.subcore_barrier()


_prop_kernel = functools.partial(
    pl.kernel,
    out_type=jax.ShapeDtypeStruct((NP, C), jnp.float32),
    mesh=_mesh,
    compiler_params=_params,
    scratch_types=[
        pltpu.VMEM_SHARED((NP, CH), jnp.float32),
        pltpu.VMEM_SHARED((NP, CH), jnp.float32),
        pltpu.VMEM((NCHUNK, K), jnp.int32),
        pltpu.VMEM((NCHUNK, K), jnp.int32),
        pltpu.VMEM((K, CH), jnp.float32),
        pltpu.VMEM((K, CH), jnp.float32),
        pltpu.VMEM((RT, CH), jnp.float32),
        pltpu.VMEM((RT,), jnp.float32),
        pltpu.VMEM((RT, CH), jnp.float32),
        pltpu.SemaphoreType.DMA,
        pltpu.SemaphoreType.DMA,
    ],
)(_prop_body)


def kernel(x, edge_index, W):
    row = edge_index[0]
    col = edge_index[1]

    degp = _deg_kernel(row.reshape(NCORE * NSUB, EW))
    xp = jnp.pad(x, ((0, NP - N), (0, 0)))
    p0s, dinv = _prep_kernel(xp, W, degp)
    epad = jnp.full((2, EPAD - E), NP - 1, dtype=jnp.int32)
    eip = jnp.concatenate([edge_index, epad], axis=1)
    out = _prop_kernel(
        p0s,
        eip[0].reshape(NSUB, NCHUNK, K),
        eip[1].reshape(NSUB, NCHUNK, K),
        dinv,
    )
    return out[:N]

# --- scband reference (transcript-rebuilt; emitter-appended) ---
"""Pipeline reference for scband-simple-gcn-19318762897564 (READ-ONLY COPY).

The authoritative reference and input builder live on the scoring server;
editing this copy changes nothing except your own understanding.
"""

import jax, jax.numpy as jnp
import numpy as np

N = 10000
E = 320000
D = 128
C = 64
L = 4


def setup_inputs(seed: int = 0) -> dict:
    key = jax.random.key(seed)
    kx, ke, kw = jax.random.split(key, 3)
    x = jax.random.normal(kx, (N, D), dtype=jnp.float32)
    edge_index = jax.random.randint(ke, (2, E), 0, N, dtype=jnp.int32)
    # glorot uniform for weight [D, C]
    limit = float(np.sqrt(6.0 / (D + C)))
    W = jax.random.uniform(kw, (D, C), dtype=jnp.float32, minval=-limit, maxval=limit)
    return {"x": x, "edge_index": edge_index, "W": W}


def reference(x, edge_index, W):
    row = edge_index[0]
    col = edge_index[1]
    # symmetric normalization: D^{-1/2} A D^{-1/2} edge weights
    edge_weight = jnp.ones((E,), dtype=x.dtype)
    deg = jax.ops.segment_sum(edge_weight, row, num_segments=N)
    deg_inv_sqrt = jnp.where(deg > 0, deg ** -0.5, 0.0)
    norm = (deg_inv_sqrt[row] * edge_weight * deg_inv_sqrt[col])[:, None]
    # dropout p=0.0 (identity), then single linear projection
    h = x @ W
    # num_layers rounds of normalized gather + scatter-add propagation
    # (type_norm='None' -> batch_norm module is identity)
    for _ in range(L):
        x_j = h[row]                       # gather by source node
        h = jax.ops.segment_sum(norm * x_j, col, num_segments=N)  # scatter-add to dst
    return h

if __name__ == "__main__":
    import jax
    _d = setup_inputs()
    print(jax.jit(kernel)(*tuple(_d.values())))

</pallas_src>

<mosaic_0001>
#map = affine_map<(d0, d1) -> (0, 0, 0)>
#map1 = affine_map<(d0, d1) -> (0)>
#map2 = affine_map<(d0, d1) -> (0, 0)>
module attributes {stable_mosaic.version = 14 : i64} {
  func.func @_prop_body(%arg0: i32, %arg1: i32, %arg2: memref<2x10240x32xf32, #tpu.memory_space<hbm>>, %arg3: memref<16x157x128xi32, #tpu.memory_space<hbm>>, %arg4: memref<16x157x128xi32, #tpu.memory_space<hbm>>, %arg5: memref<10240xf32, #tpu.memory_space<hbm>>, %arg6: memref<10240x64xf32, #tpu.memory_space<hbm>>, %arg7: memref<10240x32xf32, #tpu.memory_space<vmem_shared>>, %arg8: memref<10240x32xf32, #tpu.memory_space<vmem_shared>>, %arg9: memref<157x128xi32, #tpu.memory_space<vmem>>, %arg10: memref<157x128xi32, #tpu.memory_space<vmem>>, %arg11: memref<128x32xf32, #tpu.memory_space<vmem>>, %arg12: memref<128x32xf32, #tpu.memory_space<vmem>>, %arg13: memref<640x32xf32, #tpu.memory_space<vmem>>, %arg14: memref<640xf32, #tpu.memory_space<vmem>>, %arg15: memref<640x32xf32, #tpu.memory_space<vmem>>, %arg16: memref<!tpu.dma_semaphore, #tpu.memory_space<semaphore_mem>>, %arg17: memref<!tpu.dma_semaphore, #tpu.memory_space<semaphore_mem>>) attributes {dimension_semantics = [#tpu.dimension_semantics<core_parallel>, #tpu.dimension_semantics<subcore_parallel>], iteration_bounds = array<i64: 2, 16>, scalar_prefetch = 0 : i64, scratch_operands = 11 : i64, tpu.core_type = #tpu.core_type<sc_vector_subcore>, window_params = [{transform_indices = #map}, {transform_indices = #map}, {transform_indices = #map}, {transform_indices = #map1}, {transform_indices = #map2}]} {
    %mul3A = arith.constant 640 : i32
    %mul3A_0 = arith.muli %arg1, %mul3A : i32
    %dma_start3A = arith.constant 0 : i32
    %dma_start3A_1 = arith.constant 0 : i32
    %dma_start3A_2 = tpu.memref_slice %arg3[%arg1, %dma_start3A, %dma_start3A_1] : memref<16x157x128xi32, #tpu.memory_space<hbm>> -> memref<1x157x128xi32, #tpu.memory_space<hbm>>
    %dma_start3A_3 = tpu.memref_squeeze %dma_start3A_2 : memref<1x157x128xi32, #tpu.memory_space<hbm>> -> memref<157x128xi32, #tpu.memory_space<hbm>>
    %dma_start3A_4 = arith.constant 0 : i32
    %dma_start3A_5 = arith.constant 0 : i32
    %dma_start3A_6 = tpu.memref_slice %arg3[%arg1, %dma_start3A_4, %dma_start3A_5] : memref<16x157x128xi32, #tpu.memory_space<hbm>> -> memref<1x157x128xi32, #tpu.memory_space<hbm>>
    %dma_start3A_7 = tpu.memref_squeeze %dma_start3A_6 : memref<1x157x128xi32, #tpu.memory_space<hbm>> -> memref<157x128xi32, #tpu.memory_space<hbm>>
    tpu.enqueue_dma source(%dma_start3A_7 : memref<157x128xi32, #tpu.memory_space<hbm>>) target(%arg9 : memref<157x128xi32, #tpu.memory_space<vmem>>) target_semaphore(%arg16 : memref<!tpu.dma_semaphore, #tpu.memory_space<semaphore_mem>>)
    %dma_start3A_8 = arith.constant 0 : i32
    %dma_start3A_9 = arith.constant 0 : i32
    %dma_start3A_10 = tpu.memref_slice %arg4[%arg1, %dma_start3A_8, %dma_start3A_9] : memref<16x157x128xi32, #tpu.memory_space<hbm>> -> memref<1x157x128xi32, #tpu.memory_space<hbm>>
    %dma_start3A_11 = tpu.memref_squeeze %dma_start3A_10 : memref<1x157x128xi32, #tpu.memory_space<hbm>> -> memref<157x128xi32, #tpu.memory_space<hbm>>
    %dma_start3A_12 = arith.constant 0 : i32
    %dma_start3A_13 = arith.constant 0 : i32
    %dma_start3A_14 = tpu.memref_slice %arg4[%arg1, %dma_start3A_12, %dma_start3A_13] : memref<16x157x128xi32, #tpu.memory_space<hbm>> -> memref<1x157x128xi32, #tpu.memory_space<hbm>>
    %dma_start3A_15 = tpu.memref_squeeze %dma_start3A_14 : memref<1x157x128xi32, #tpu.memory_space<hbm>> -> memref<157x128xi32, #tpu.memory_space<hbm>>
    tpu.enqueue_dma source(%dma_start3A_15 : memref<157x128xi32, #tpu.memory_space<hbm>>) target(%arg10 : memref<157x128xi32, #tpu.memory_space<vmem>>) target_semaphore(%arg17 : memref<!tpu.dma_semaphore, #tpu.memory_space<semaphore_mem>>)
    "tpu.region"() ({
      %run_scoped3A_152 = tpu.sem_alloc : memref<!tpu.dma_semaphore, #tpu.memory_space<semaphore_mem>>
      %dma_start3A_153 = arith.constant 0 : i32
      %dma_start3A_154 = tpu.memref_slice %arg7[%mul3A_0, %dma_start3A_153] : memref<10240x32xf32, #tpu.memory_space<vmem_shared>> -> memref<640x32xf32, #tpu.memory_space<vmem_shared>>
      %dma_start3A_155 = arith.constant 0 : i32
      %dma_start3A_156 = tpu.memref_slice %arg2[%arg0, %mul3A_0, %dma_start3A_155] : memref<2x10240x32xf32, #tpu.memory_space<hbm>> -> memref<1x640x32xf32, #tpu.memory_space<hbm>>
      %dma_start3A_157 = tpu.memref_squeeze %dma_start3A_156 : memref<1x640x32xf32, #tpu.memory_space<hbm>> -> memref<640x32xf32, #tpu.memory_space<hbm>>
      tpu.enqueue_dma source(%dma_start3A_157 : memref<640x32xf32, #tpu.memory_space<hbm>>) target(%dma_start3A_154 : memref<640x32xf32, #tpu.memory_space<vmem_shared>>) target_semaphore(%run_scoped3A_152 : memref<!tpu.dma_semaphore, #tpu.memory_space<semaphore_mem>>)
      %dma_wait3A_158 = arith.constant 0 : i32
      %dma_wait3A_159 = tpu.memref_slice %arg7[%mul3A_0, %dma_wait3A_158] : memref<10240x32xf32, #tpu.memory_space<vmem_shared>> -> memref<640x32xf32, #tpu.memory_space<vmem_shared>>
      %dma_wait3A_160 = arith.constant 0 : i32
      %dma_wait3A_161 = tpu.memref_slice %arg2[%arg0, %mul3A_0, %dma_wait3A_160] : memref<2x10240x32xf32, #tpu.memory_space<hbm>> -> memref<1x640x32xf32, #tpu.memory_space<hbm>>
      %dma_wait3A_162 = tpu.memref_squeeze %dma_wait3A_161 : memref<1x640x32xf32, #tpu.memory_space<hbm>> -> memref<640x32xf32, #tpu.memory_space<hbm>>
      tpu.wait_dma2 semaphore(%run_scoped3A_152 : memref<!tpu.dma_semaphore, #tpu.memory_space<semaphore_mem>>) src(%dma_wait3A_162 : memref<640x32xf32, #tpu.memory_space<hbm>>) dst(%dma_wait3A_159 : memref<640x32xf32, #tpu.memory_space<vmem_shared>>)
      tpu.yield
    }) : () -> ()
    "tpu.region"() ({
      %run_scoped3A_152 = tpu.sem_alloc : memref<!tpu.dma_semaphore, #tpu.memory_space<semaphore_mem>>
      %dma_start3A_153 = tpu.memref_slice %arg5[%mul3A_0] : memref<10240xf32, #tpu.memory_space<hbm>> -> memref<640xf32, #tpu.memory_space<hbm>>
      %dma_start3A_154 = tpu.memref_slice %arg5[%mul3A_0] : memref<10240xf32, #tpu.memory_space<hbm>> -> memref<640xf32, #tpu.memory_space<hbm>>
      tpu.enqueue_dma source(%dma_start3A_154 : memref<640xf32, #tpu.memory_space<hbm>>) target(%arg14 : memref<640xf32, #tpu.memory_space<vmem>>) target_semaphore(%run_scoped3A_152 : memref<!tpu.dma_semaphore, #tpu.memory_space<semaphore_mem>>)
      %dma_wait3A_155 = tpu.memref_slice %arg5[%mul3A_0] : memref<10240xf32, #tpu.memory_space<hbm>> -> memref<640xf32, #tpu.memory_space<hbm>>
      %dma_wait3A_156 = tpu.memref_slice %arg5[%mul3A_0] : memref<10240xf32, #tpu.memory_space<hbm>> -> memref<640xf32, #tpu.memory_space<hbm>>
      tpu.wait_dma2 semaphore(%run_scoped3A_152 : memref<!tpu.dma_semaphore, #tpu.memory_space<semaphore_mem>>) src(%dma_wait3A_156 : memref<640xf32, #tpu.memory_space<hbm>>) dst(%arg14 : memref<640xf32, #tpu.memory_space<vmem>>)
      tpu.yield
    }) : () -> ()
    %scan3A = arith.constant 0 : i32
    %scan3A_16 = arith.constant 0 : i32
    %scan3A_17 = arith.constant 640 : i32
    %scan3A_18 = arith.addi %scan3A_16, %scan3A_17 : i32
    %scan3A_19 = arith.constant 1 : i32
    scf.for %scan3A_152 = %scan3A_16 to %scan3A_18 step %scan3A_19  : i32 {
      %broadcast_in_dim3A = arith.constant 0.000000e+00 : f32
      %broadcast_in_dim3A_153 = vector.broadcast %broadcast_in_dim3A : f32 to vector<16xf32>
      %swap3A = arith.index_cast %scan3A_152 : i32 to index
      %swap3A_154 = arith.constant 0 : index
      %swap3A_155 = tpu.vector_load %arg15[%swap3A, %swap3A_154] {strides = array<i32>} : memref<640x32xf32, #tpu.memory_space<vmem>>, vector<16xf32>,
      tpu.vector_store %arg15[%swap3A, %swap3A_154], %broadcast_in_dim3A_153 {strides = array<i32>} : memref<640x32xf32, #tpu.memory_space<vmem>>, vector<16xf32>,
      %swap3A_156 = arith.index_cast %scan3A_152 : i32 to index
      %swap3A_157 = arith.constant 16 : index
      %swap3A_158 = tpu.vector_load %arg15[%swap3A_156, %swap3A_157] {strides = array<i32>} : memref<640x32xf32, #tpu.memory_space<vmem>>, vector<16xf32>,
      tpu.vector_store %arg15[%swap3A_156, %swap3A_157], %broadcast_in_dim3A_153 {strides = array<i32>} : memref<640x32xf32, #tpu.memory_space<vmem>>, vector<16xf32>,
    }
    %scan3A_20 = arith.constant 640 : i32
    "tpu.region"() ({
      %run_scoped3A_152 = tpu.sem_alloc : memref<!tpu.dma_semaphore, #tpu.memory_space<semaphore_mem>>
      %dma_start3A_153 = arith.constant 0 : i32
      %dma_start3A_154 = tpu.memref_slice %arg8[%mul3A_0, %dma_start3A_153] : memref<10240x32xf32, #tpu.memory_space<vmem_shared>> -> memref<640x32xf32, #tpu.memory_space<vmem_shared>>
      %dma_start3A_155 = arith.constant 0 : i32
      %dma_start3A_156 = tpu.memref_slice %arg8[%mul3A_0, %dma_start3A_155] : memref<10240x32xf32, #tpu.memory_space<vmem_shared>> -> memref<640x32xf32, #tpu.memory_space<vmem_shared>>
      tpu.enqueue_dma source(%arg15 : memref<640x32xf32, #tpu.memory_space<vmem>>) target(%dma_start3A_156 : memref<640x32xf32, #tpu.memory_space<vmem_shared>>) target_semaphore(%run_scoped3A_152 : memref<!tpu.dma_semaphore, #tpu.memory_space<semaphore_mem>>)
      %dma_wait3A_157 = arith.constant 0 : i32
      %dma_wait3A_158 = tpu.memref_slice %arg8[%mul3A_0, %dma_wait3A_157] : memref<10240x32xf32, #tpu.memory_space<vmem_shared>> -> memref<640x32xf32, #tpu.memory_space<vmem_shared>>
      %dma_wait3A_159 = arith.constant 0 : i32
      %dma_wait3A_160 = tpu.memref_slice %arg8[%mul3A_0, %dma_wait3A_159] : memref<10240x32xf32, #tpu.memory_space<vmem_shared>> -> memref<640x32xf32, #tpu.memory_space<vmem_shared>>
      tpu.wait_dma2 semaphore(%run_scoped3A_152 : memref<!tpu.dma_semaphore, #tpu.memory_space<semaphore_mem>>) src(%arg15 : memref<640x32xf32, #tpu.memory_space<vmem>>) dst(%dma_wait3A_160 : memref<640x32xf32, #tpu.memory_space<vmem_shared>>)
      tpu.yield
    }) : () -> ()
    %dma_wait3A = arith.constant 0 : i32
    %dma_wait3A_21 = arith.constant 0 : i32
    %dma_wait3A_22 = tpu.memref_slice %arg3[%arg1, %dma_wait3A, %dma_wait3A_21] : memref<16x157x128xi32, #tpu.memory_space<hbm>> -> memref<1x157x128xi32, #tpu.memory_space<hbm>>
    %dma_wait3A_23 = tpu.memref_squeeze %dma_wait3A_22 : memref<1x157x128xi32, #tpu.memory_space<hbm>> -> memref<157x128xi32, #tpu.memory_space<hbm>>
    %dma_wait3A_24 = arith.constant 0 : i32
    %dma_wait3A_25 = arith.constant 0 : i32
    %dma_wait3A_26 = tpu.memref_slice %arg3[%arg1, %dma_wait3A_24, %dma_wait3A_25] : memref<16x157x128xi32, #tpu.memory_space<hbm>> -> memref<1x157x128xi32, #tpu.memory_space<hbm>>
    %dma_wait3A_27 = tpu.memref_squeeze %dma_wait3A_26 : memref<1x157x128xi32, #tpu.memory_space<hbm>> -> memref<157x128xi32, #tpu.memory_space<hbm>>
    tpu.wait_dma2 semaphore(%arg16 : memref<!tpu.dma_semaphore, #tpu.memory_space<semaphore_mem>>) src(%dma_wait3A_27 : memref<157x128xi32, #tpu.memory_space<hbm>>) dst(%arg9 : memref<157x128xi32, #tpu.memory_space<vmem>>)
    %dma_wait3A_28 = arith.constant 0 : i32
    %dma_wait3A_29 = arith.constant 0 : i32
    %dma_wait3A_30 = tpu.memref_slice %arg4[%arg1, %dma_wait3A_28, %dma_wait3A_29] : memref<16x157x128xi32, #tpu.memory_space<hbm>> -> memref<1x157x128xi32, #tpu.memory_space<hbm>>
    %dma_wait3A_31 = tpu.memref_squeeze %dma_wait3A_30 : memref<1x157x128xi32, #tpu.memory_space<hbm>> -> memref<157x128xi32, #tpu.memory_space<hbm>>
    %dma_wait3A_32 = arith.constant 0 : i32
    %dma_wait3A_33 = arith.constant 0 : i32
    %dma_wait3A_34 = tpu.memref_slice %arg4[%arg1, %dma_wait3A_32, %dma_wait3A_33] : memref<16x157x128xi32, #tpu.memory_space<hbm>> -> memref<1x157x128xi32, #tpu.memory_space<hbm>>
    %dma_wait3A_35 = tpu.memref_squeeze %dma_wait3A_34 : memref<1x157x128xi32, #tpu.memory_space<hbm>> -> memref<157x128xi32, #tpu.memory_space<hbm>>
    tpu.wait_dma2 semaphore(%arg17 : memref<!tpu.dma_semaphore, #tpu.memory_space<semaphore_mem>>) src(%dma_wait3A_35 : memref<157x128xi32, #tpu.memory_space<hbm>>) dst(%arg10 : memref<157x128xi32, #tpu.memory_space<vmem>>)
    %barrier3A = arith.constant 0 : index
    tpu.barrier barrier_id(%barrier3A)
    %dma_start3A_36 = arith.constant 0 : i32
    %dma_start3A_37 = arith.constant 0 : i32
    %dma_start3A_38 = tpu.memref_slice %arg9[%dma_start3A_36, %dma_start3A_37] : memref<157x128xi32, #tpu.memory_space<vmem>> -> memref<1x128xi32, #tpu.memory_space<vmem>>
    %dma_start3A_39 = tpu.memref_squeeze %dma_start3A_38 : memref<1x128xi32, #tpu.memory_space<vmem>> -> memref<128xi32, #tpu.memory_space<vmem>>
    %dma_start3A_40 = arith.constant 0 : i32
    %dma_start3A_41 = arith.constant 0 : i32
    %dma_start3A_42 = tpu.memref_slice %arg7[%dma_start3A_40, %dma_start3A_41] : memref<10240x32xf32, #tpu.memory_space<vmem_shared>> -> memref<10240x32xf32, #tpu.memory_space<vmem_shared>>
    tpu.enqueue_indirect_dma source(%dma_start3A_42 : memref<10240x32xf32, #tpu.memory_space<vmem_shared>>) target(%arg11 : memref<128x32xf32, #tpu.memory_space<vmem>>) offsets(%dma_start3A_39 : memref<128xi32, #tpu.memory_space<vmem>>) semaphore(%arg16 : memref<!tpu.dma_semaphore, #tpu.memory_space<semaphore_mem>>)
    %scan3A_43 = arith.constant 0 : i32
    %scan3A_44 = arith.constant 0 : i32
    %scan3A_45 = arith.constant 78 : i32
    %scan3A_46 = arith.addi %scan3A_44, %scan3A_45 : i32
    %scan3A_47 = arith.constant 1 : i32
    scf.for %scan3A_152 = %scan3A_44 to %scan3A_46 step %scan3A_47  : i32 {
      %mul3A_153 = arith.constant 2 : i32
      %mul3A_154 = arith.muli %mul3A_153, %scan3A_152 : i32
      %add3A = arith.constant 1 : i32
      %add3A_155 = arith.addi %mul3A_154, %add3A : i32
      %dma_start3A_156 = arith.constant 0 : i32
      %dma_start3A_157 = tpu.memref_slice %arg9[%add3A_155, %dma_start3A_156] : memref<157x128xi32, #tpu.memory_space<vmem>> -> memref<1x128xi32, #tpu.memory_space<vmem>>
      %dma_start3A_158 = tpu.memref_squeeze %dma_start3A_157 : memref<1x128xi32, #tpu.memory_space<vmem>> -> memref<128xi32, #tpu.memory_space<vmem>>
      %dma_start3A_159 = arith.constant 0 : i32
      %dma_start3A_160 = arith.constant 0 : i32
      %dma_start3A_161 = tpu.memref_slice %arg7[%dma_start3A_159, %dma_start3A_160] : memref<10240x32xf32, #tpu.memory_space<vmem_shared>> -> memref<10240x32xf32, #tpu.memory_space<vmem_shared>>
      tpu.enqueue_indirect_dma source(%dma_start3A_161 : memref<10240x32xf32, #tpu.memory_space<vmem_shared>>) target(%arg12 : memref<128x32xf32, #tpu.memory_space<vmem>>) offsets(%dma_start3A_158 : memref<128xi32, #tpu.memory_space<vmem>>) semaphore(%arg17 : memref<!tpu.dma_semaphore, #tpu.memory_space<semaphore_mem>>)
      %dma_wait3A_162 = arith.constant 0 : i32
      %dma_wait3A_163 = tpu.memref_slice %arg9[%mul3A_154, %dma_wait3A_162] : memref<157x128xi32, #tpu.memory_space<vmem>> -> memref<1x128xi32, #tpu.memory_space<vmem>>
      %dma_wait3A_164 = tpu.memref_squeeze %dma_wait3A_163 : memref<1x128xi32, #tpu.memory_space<vmem>> -> memref<128xi32, #tpu.memory_space<vmem>>
      %dma_wait3A_165 = arith.constant 0 : i32
      %dma_wait3A_166 = arith.constant 0 : i32
      %dma_wait3A_167 = tpu.memref_slice %arg7[%dma_wait3A_165, %dma_wait3A_166] : memref<10240x32xf32, #tpu.memory_space<vmem_shared>> -> memref<10240x32xf32, #tpu.memory_space<vmem_shared>>
      tpu.wait_indirect_dma semaphore(%arg16 : memref<!tpu.dma_semaphore, #tpu.memory_space<semaphore_mem>>) src(%dma_wait3A_167 : memref<10240x32xf32, #tpu.memory_space<vmem_shared>>) dst(%arg11 : memref<128x32xf32, #tpu.memory_space<vmem>>)
      "tpu.region"() ({
        %run_scoped3A_182 = tpu.sem_alloc : memref<!tpu.dma_semaphore, #tpu.memory_space<semaphore_mem>>
        %dma_start3A_183 = arith.constant 0 : i32
        %dma_start3A_184 = tpu.memref_slice %arg10[%mul3A_154, %dma_start3A_183] : memref<157x128xi32, #tpu.memory_space<vmem>> -> memref<1x128xi32, #tpu.memory_space<vmem>>
        %dma_start3A_185 = tpu.memref_squeeze %dma_start3A_184 : memref<1x128xi32, #tpu.memory_space<vmem>> -> memref<128xi32, #tpu.memory_space<vmem>>
        %dma_start3A_186 = arith.constant 0 : i32
        %dma_start3A_187 = arith.constant 0 : i32
        %dma_start3A_188 = tpu.memref_slice %arg8[%dma_start3A_186, %dma_start3A_187] : memref<10240x32xf32, #tpu.memory_space<vmem_shared>> -> memref<10240x32xf32, #tpu.memory_space<vmem_shared>>
        tpu.enqueue_indirect_dma source(%arg11 : memref<128x32xf32, #tpu.memory_space<vmem>>) target(%dma_start3A_188 : memref<10240x32xf32, #tpu.memory_space<vmem_shared>>) offsets(%dma_start3A_185 : memref<128xi32, #tpu.memory_space<vmem>>) semaphore(%run_scoped3A_182 : memref<!tpu.dma_semaphore, #tpu.memory_space<semaphore_mem>>) {add = true}
        %dma_wait3A_189 = arith.constant 0 : i32
        %dma_wait3A_190 = tpu.memref_slice %arg10[%mul3A_154, %dma_wait3A_189] : memref<157x128xi32, #tpu.memory_space<vmem>> -> memref<1x128xi32, #tpu.memory_space<vmem>>
        %dma_wait3A_191 = tpu.memref_squeeze %dma_wait3A_190 : memref<1x128xi32, #tpu.memory_space<vmem>> -> memref<128xi32, #tpu.memory_space<vmem>>
        %dma_wait3A_192 = arith.constant 0 : i32
        %dma_wait3A_193 = arith.constant 0 : i32
        %dma_wait3A_194 = tpu.memref_slice %arg8[%dma_wait3A_192, %dma_wait3A_193] : memref<10240x32xf32, #tpu.memory_space<vmem_shared>> -> memref<10240x32xf32, #tpu.memory_space<vmem_shared>>
        tpu.wait_indirect_dma semaphore(%run_scoped3A_182 : memref<!tpu.dma_semaphore, #tpu.memory_space<semaphore_mem>>) src(%arg11 : memref<128x32xf32, #tpu.memory_space<vmem>>) dst(%dma_wait3A_194 : memref<10240x32xf32, #tpu.memory_space<vmem_shared>>)
        tpu.yield
      }) : () -> ()
      %add3A_168 = arith.constant 2 : i32
      %add3A_169 = arith.addi %mul3A_154, %add3A_168 : i32
      %dma_start3A_170 = arith.constant 0 : i32
      %dma_start3A_171 = tpu.memref_slice %arg9[%add3A_169, %dma_start3A_170] : memref<157x128xi32, #tpu.memory_space<vmem>> -> memref<1x128xi32, #tpu.memory_space<vmem>>
      %dma_start3A_172 = tpu.memref_squeeze %dma_start3A_171 : memref<1x128xi32, #tpu.memory_space<vmem>> -> memref<128xi32, #tpu.memory_space<vmem>>
      %dma_start3A_173 = arith.constant 0 : i32
      %dma_start3A_174 = arith.constant 0 : i32
      %dma_start3A_175 = tpu.memref_slice %arg7[%dma_start3A_173, %dma_start3A_174] : memref<10240x32xf32, #tpu.memory_space<vmem_shared>> -> memref<10240x32xf32, #tpu.memory_space<vmem_shared>>
      tpu.enqueue_indirect_dma source(%dma_start3A_175 : memref<10240x32xf32, #tpu.memory_space<vmem_shared>>) target(%arg11 : memref<128x32xf32, #tpu.memory_space<vmem>>) offsets(%dma_start3A_172 : memref<128xi32, #tpu.memory_space<vmem>>) semaphore(%arg16 : memref<!tpu.dma_semaphore, #tpu.memory_space<semaphore_mem>>)
      %dma_wait3A_176 = arith.constant 0 : i32
      %dma_wait3A_177 = tpu.memref_slice %arg9[%add3A_155, %dma_wait3A_176] : memref<157x128xi32, #tpu.memory_space<vmem>> -> memref<1x128xi32, #tpu.memory_space<vmem>>
      %dma_wait3A_178 = tpu.memref_squeeze %dma_wait3A_177 : memref<1x128xi32, #tpu.memory_space<vmem>> -> memref<128xi32, #tpu.memory_space<vmem>>
      %dma_wait3A_179 = arith.constant 0 : i32
      %dma_wait3A_180 = arith.constant 0 : i32
      %dma_wait3A_181 = tpu.memref_slice %arg7[%dma_wait3A_179, %dma_wait3A_180] : memref<10240x32xf32, #tpu.memory_space<vmem_shared>> -> memref<10240x32xf32, #tpu.memory_space<vmem_shared>>
      tpu.wait_indirect_dma semaphore(%arg17 : memref<!tpu.dma_semaphore, #tpu.memory_space<semaphore_mem>>) src(%dma_wait3A_181 : memref<10240x32xf32, #tpu.memory_space<vmem_shared>>) dst(%arg12 : memref<128x32xf32, #tpu.memory_space<vmem>>)
      "tpu.region"() ({
        %run_scoped3A_182 = tpu.sem_alloc : memref<!tpu.dma_semaphore, #tpu.memory_space<semaphore_mem>>
        %dma_start3A_183 = arith.constant 0 : i32
        %dma_start3A_184 = tpu.memref_slice %arg10[%add3A_155, %dma_start3A_183] : memref<157x128xi32, #tpu.memory_space<vmem>> -> memref<1x128xi32, #tpu.memory_space<vmem>>
        %dma_start3A_185 = tpu.memref_squeeze %dma_start3A_184 : memref<1x128xi32, #tpu.memory_space<vmem>> -> memref<128xi32, #tpu.memory_space<vmem>>
        %dma_start3A_186 = arith.constant 0 : i32
        %dma_start3A_187 = arith.constant 0 : i32
        %dma_start3A_188 = tpu.memref_slice %arg8[%dma_start3A_186, %dma_start3A_187] : memref<10240x32xf32, #tpu.memory_space<vmem_shared>> -> memref<10240x32xf32, #tpu.memory_space<vmem_shared>>
        tpu.enqueue_indirect_dma source(%arg12 : memref<128x32xf32, #tpu.memory_space<vmem>>) target(%dma_start3A_188 : memref<10240x32xf32, #tpu.memory_space<vmem_shared>>) offsets(%dma_start3A_185 : memref<128xi32, #tpu.memory_space<vmem>>) semaphore(%run_scoped3A_182 : memref<!tpu.dma_semaphore, #tpu.memory_space<semaphore_mem>>) {add = true}
        %dma_wait3A_189 = arith.constant 0 : i32
        %dma_wait3A_190 = tpu.memref_slice %arg10[%add3A_155, %dma_wait3A_189] : memref<157x128xi32, #tpu.memory_space<vmem>> -> memref<1x128xi32, #tpu.memory_space<vmem>>
        %dma_wait3A_191 = tpu.memref_squeeze %dma_wait3A_190 : memref<1x128xi32, #tpu.memory_space<vmem>> -> memref<128xi32, #tpu.memory_space<vmem>>
        %dma_wait3A_192 = arith.constant 0 : i32
        %dma_wait3A_193 = arith.constant 0 : i32
        %dma_wait3A_194 = tpu.memref_slice %arg8[%dma_wait3A_192, %dma_wait3A_193] : memref<10240x32xf32, #tpu.memory_space<vmem_shared>> -> memref<10240x32xf32, #tpu.memory_space<vmem_shared>>
        tpu.wait_indirect_dma semaphore(%run_scoped3A_182 : memref<!tpu.dma_semaphore, #tpu.memory_space<semaphore_mem>>) src(%arg12 : memref<128x32xf32, #tpu.memory_space<vmem>>) dst(%dma_wait3A_194 : memref<10240x32xf32, #tpu.memory_space<vmem_shared>>)
        tpu.yield
      }) : () -> ()
    }
    %scan3A_48 = arith.constant 78 : i32
    %dma_wait3A_49 = arith.constant 156 : i32
    %dma_wait3A_50 = arith.constant 0 : i32
    %dma_wait3A_51 = tpu.memref_slice %arg9[%dma_wait3A_49, %dma_wait3A_50] : memref<157x128xi32, #tpu.memory_space<vmem>> -> memref<1x128xi32, #tpu.memory_space<vmem>>
    %dma_wait3A_52 = tpu.memref_squeeze %dma_wait3A_51 : memref<1x128xi32, #tpu.memory_space<vmem>> -> memref<128xi32, #tpu.memory_space<vmem>>
    %dma_wait3A_53 = arith.constant 0 : i32
    %dma_wait3A_54 = arith.constant 0 : i32
    %dma_wait3A_55 = tpu.memref_slice %arg7[%dma_wait3A_53, %dma_wait3A_54] : memref<10240x32xf32, #tpu.memory_space<vmem_shared>> -> memref<10240x32xf32, #tpu.memory_space<vmem_shared>>
    tpu.wait_indirect_dma semaphore(%arg16 : memref<!tpu.dma_semaphore, #tpu.memory_space<semaphore_mem>>) src(%dma_wait3A_55 : memref<10240x32xf32, #tpu.memory_space<vmem_shared>>) dst(%arg11 : memref<128x32xf32, #tpu.memory_space<vmem>>)
    %run_scoped3A = arith.constant 156 : i32
    "tpu.region"() ({
      %run_scoped3A_152 = tpu.sem_alloc : memref<!tpu.dma_semaphore, #tpu.memory_space<semaphore_mem>>
      %dma_start3A_153 = arith.constant 0 : i32
      %dma_start3A_154 = tpu.memref_slice %arg10[%run_scoped3A, %dma_start3A_153] : memref<157x128xi32, #tpu.memory_space<vmem>> -> memref<1x128xi32, #tpu.memory_space<vmem>>
      %dma_start3A_155 = tpu.memref_squeeze %dma_start3A_154 : memref<1x128xi32, #tpu.memory_space<vmem>> -> memref<128xi32, #tpu.memory_space<vmem>>
      %dma_start3A_156 = arith.constant 0 : i32
      %dma_start3A_157 = arith.constant 0 : i32
      %dma_start3A_158 = tpu.memref_slice %arg8[%dma_start3A_156, %dma_start3A_157] : memref<10240x32xf32, #tpu.memory_space<vmem_shared>> -> memref<10240x32xf32, #tpu.memory_space<vmem_shared>>
      tpu.enqueue_indirect_dma source(%arg11 : memref<128x32xf32, #tpu.memory_space<vmem>>) target(%dma_start3A_158 : memref<10240x32xf32, #tpu.memory_space<vmem_shared>>) offsets(%dma_start3A_155 : memref<128xi32, #tpu.memory_space<vmem>>) semaphore(%run_scoped3A_152 : memref<!tpu.dma_semaphore, #tpu.memory_space<semaphore_mem>>) {add = true}
      %dma_wait3A_159 = arith.constant 0 : i32
      %dma_wait3A_160 = tpu.memref_slice %arg10[%run_scoped3A, %dma_wait3A_159] : memref<157x128xi32, #tpu.memory_space<vmem>> -> memref<1x128xi32, #tpu.memory_space<vmem>>
      %dma_wait3A_161 = tpu.memref_squeeze %dma_wait3A_160 : memref<1x128xi32, #tpu.memory_space<vmem>> -> memref<128xi32, #tpu.memory_space<vmem>>
      %dma_wait3A_162 = arith.constant 0 : i32
      %dma_wait3A_163 = arith.constant 0 : i32
      %dma_wait3A_164 = tpu.memref_slice %arg8[%dma_wait3A_162, %dma_wait3A_163] : memref<10240x32xf32, #tpu.memory_space<vmem_shared>> -> memref<10240x32xf32, #tpu.memory_space<vmem_shared>>
      tpu.wait_indirect_dma semaphore(%run_scoped3A_152 : memref<!tpu.dma_semaphore, #tpu.memory_space<semaphore_mem>>) src(%arg11 : memref<128x32xf32, #tpu.memory_space<vmem>>) dst(%dma_wait3A_164 : memref<10240x32xf32, #tpu.memory_space<vmem_shared>>)
      tpu.yield
    }) : () -> ()
    %barrier3A_56 = arith.constant 0 : index
    tpu.barrier barrier_id(%barrier3A_56)
    "tpu.region"() ({
      %run_scoped3A_152 = tpu.sem_alloc : memref<!tpu.dma_semaphore, #tpu.memory_space<semaphore_mem>>
      %dma_start3A_153 = arith.constant 0 : i32
      %dma_start3A_154 = tpu.memref_slice %arg8[%mul3A_0, %dma_start3A_153] : memref<10240x32xf32, #tpu.memory_space<vmem_shared>> -> memref<640x32xf32, #tpu.memory_space<vmem_shared>>
      %dma_start3A_155 = arith.constant 0 : i32
      %dma_start3A_156 = tpu.memref_slice %arg8[%mul3A_0, %dma_start3A_155] : memref<10240x32xf32, #tpu.memory_space<vmem_shared>> -> memref<640x32xf32, #tpu.memory_space<vmem_shared>>
      tpu.enqueue_dma source(%dma_start3A_156 : memref<640x32xf32, #tpu.memory_space<vmem_shared>>) target(%arg13 : memref<640x32xf32, #tpu.memory_space<vmem>>) target_semaphore(%run_scoped3A_152 : memref<!tpu.dma_semaphore, #tpu.memory_space<semaphore_mem>>)
      %dma_wait3A_157 = arith.constant 0 : i32
      %dma_wait3A_158 = tpu.memref_slice %arg8[%mul3A_0, %dma_wait3A_157] : memref<10240x32xf32, #tpu.memory_space<vmem_shared>> -> memref<640x32xf32, #tpu.memory_space<vmem_shared>>
      %dma_wait3A_159 = arith.constant 0 : i32
      %dma_wait3A_160 = tpu.memref_slice %arg8[%mul3A_0, %dma_wait3A_159] : memref<10240x32xf32, #tpu.memory_space<vmem_shared>> -> memref<640x32xf32, #tpu.memory_space<vmem_shared>>
      tpu.wait_dma2 semaphore(%run_scoped3A_152 : memref<!tpu.dma_semaphore, #tpu.memory_space<semaphore_mem>>) src(%dma_wait3A_160 : memref<640x32xf32, #tpu.memory_space<vmem_shared>>) dst(%arg13 : memref<640x32xf32, #tpu.memory_space<vmem>>)
      tpu.yield
    }) : () -> ()
    %scan3A_57 = arith.constant 0 : i32
    %scan3A_58 = arith.constant 0 : i32
    %scan3A_59 = arith.constant 640 : i32
    %scan3A_60 = arith.addi %scan3A_58, %scan3A_59 : i32
    %scan3A_61 = arith.constant 1 : i32
    scf.for %scan3A_152 = %scan3A_58 to %scan3A_60 step %scan3A_61  : i32 {
      %broadcast_in_dim3A = vector.broadcast %scan3A_152 : i32 to vector<16xi32>
      %gather3A = tpu.vector_load_idx %arg14[%broadcast_in_dim3A] : memref<640xf32, #tpu.memory_space<vmem>>[vector<16xi32>], vector<16xf32>,
      %mul3A_153 = arith.mulf %gather3A, %gather3A : vector<16xf32>
      %get3A = arith.index_cast %scan3A_152 : i32 to index
      %get3A_154 = arith.constant 0 : index
      %get3A_155 = tpu.vector_load %arg13[%get3A, %get3A_154] {strides = array<i32>} : memref<640x32xf32, #tpu.memory_space<vmem>>, vector<16xf32>,
      %mul3A_156 = arith.mulf %get3A_155, %mul3A_153 : vector<16xf32>
      %swap3A = arith.index_cast %scan3A_152 : i32 to index
      %swap3A_157 = arith.constant 0 : index
      %swap3A_158 = tpu.vector_load %arg13[%swap3A, %swap3A_157] {strides = array<i32>} : memref<640x32xf32, #tpu.memory_space<vmem>>, vector<16xf32>,
      tpu.vector_store %arg13[%swap3A, %swap3A_157], %mul3A_156 {strides = array<i32>} : memref<640x32xf32, #tpu.memory_space<vmem>>, vector<16xf32>,
      %get3A_159 = arith.index_cast %scan3A_152 : i32 to index
      %get3A_160 = arith.constant 16 : index
      %get3A_161 = tpu.vector_load %arg13[%get3A_159, %get3A_160] {strides = array<i32>} : memref<640x32xf32, #tpu.memory_space<vmem>>, vector<16xf32>,
      %mul3A_162 = arith.mulf %get3A_161, %mul3A_153 : vector<16xf32>
      %swap3A_163 = arith.index_cast %scan3A_152 : i32 to index
      %swap3A_164 = arith.constant 16 : index
      %swap3A_165 = tpu.vector_load %arg13[%swap3A_163, %swap3A_164] {strides = array<i32>} : memref<640x32xf32, #tpu.memory_space<vmem>>, vector<16xf32>,
      tpu.vector_store %arg13[%swap3A_163, %swap3A_164], %mul3A_162 {strides = array<i32>} : memref<640x32xf32, #tpu.memory_space<vmem>>, vector<16xf32>,
    }
    %scan3A_62 = arith.constant 640 : i32
    "tpu.region"() ({
      %run_scoped3A_152 = tpu.sem_alloc : memref<!tpu.dma_semaphore, #tpu.memory_space<semaphore_mem>>
      %dma_start3A_153 = arith.constant 0 : i32
      %dma_start3A_154 = tpu.memref_slice %arg7[%mul3A_0, %dma_start3A_153] : memref<10240x32xf32, #tpu.memory_space<vmem_shared>> -> memref<640x32xf32, #tpu.memory_space<vmem_shared>>
      %dma_start3A_155 = arith.constant 0 : i32
      %dma_start3A_156 = tpu.memref_slice %arg7[%mul3A_0, %dma_start3A_155] : memref<10240x32xf32, #tpu.memory_space<vmem_shared>> -> memref<640x32xf32, #tpu.memory_space<vmem_shared>>
      tpu.enqueue_dma source(%arg13 : memref<640x32xf32, #tpu.memory_space<vmem>>) target(%dma_start3A_156 : memref<640x32xf32, #tpu.memory_space<vmem_shared>>) target_semaphore(%run_scoped3A_152 : memref<!tpu.dma_semaphore, #tpu.memory_space<semaphore_mem>>)
      %dma_wait3A_157 = arith.constant 0 : i32
      %dma_wait3A_158 = tpu.memref_slice %arg7[%mul3A_0, %dma_wait3A_157] : memref<10240x32xf32, #tpu.memory_space<vmem_shared>> -> memref<640x32xf32, #tpu.memory_space<vmem_shared>>
      %dma_wait3A_159 = arith.constant 0 : i32
      %dma_wait3A_160 = tpu.memref_slice %arg7[%mul3A_0, %dma_wait3A_159] : memref<10240x32xf32, #tpu.memory_space<vmem_shared>> -> memref<640x32xf32, #tpu.memory_space<vmem_shared>>
      tpu.wait_dma2 semaphore(%run_scoped3A_152 : memref<!tpu.dma_semaphore, #tpu.memory_space<semaphore_mem>>) src(%arg13 : memref<640x32xf32, #tpu.memory_space<vmem>>) dst(%dma_wait3A_160 : memref<640x32xf32, #tpu.memory_space<vmem_shared>>)
      tpu.yield
    }) : () -> ()
    "tpu.region"() ({
      %run_scoped3A_152 = tpu.sem_alloc : memref<!tpu.dma_semaphore, #tpu.memory_space<semaphore_mem>>
      %dma_start3A_153 = arith.constant 0 : i32
      %dma_start3A_154 = tpu.memref_slice %arg8[%mul3A_0, %dma_start3A_153] : memref<10240x32xf32, #tpu.memory_space<vmem_shared>> -> memref<640x32xf32, #tpu.memory_space<vmem_shared>>
      %dma_start3A_155 = arith.constant 0 : i32
      %dma_start3A_156 = tpu.memref_slice %arg8[%mul3A_0, %dma_start3A_155] : memref<10240x32xf32, #tpu.memory_space<vmem_shared>> -> memref<640x32xf32, #tpu.memory_space<vmem_shared>>
      tpu.enqueue_dma source(%arg15 : memref<640x32xf32, #tpu.memory_space<vmem>>) target(%dma_start3A_156 : memref<640x32xf32, #tpu.memory_space<vmem_shared>>) target_semaphore(%run_scoped3A_152 : memref<!tpu.dma_semaphore, #tpu.memory_space<semaphore_mem>>)
      %dma_wait3A_157 = arith.constant 0 : i32
      %dma_wait3A_158 = tpu.memref_slice %arg8[%mul3A_0, %dma_wait3A_157] : memref<10240x32xf32, #tpu.memory_space<vmem_shared>> -> memref<640x32xf32, #tpu.memory_space<vmem_shared>>
      %dma_wait3A_159 = arith.constant 0 : i32
      %dma_wait3A_160 = tpu.memref_slice %arg8[%mul3A_0, %dma_wait3A_159] : memref<10240x32xf32, #tpu.memory_space<vmem_shared>> -> memref<640x32xf32, #tpu.memory_space<vmem_shared>>
      tpu.wait_dma2 semaphore(%run_scoped3A_152 : memref<!tpu.dma_semaphore, #tpu.memory_space<semaphore_mem>>) src(%arg15 : memref<640x32xf32, #tpu.memory_space<vmem>>) dst(%dma_wait3A_160 : memref<640x32xf32, #tpu.memory_space<vmem_shared>>)
      tpu.yield
    }) : () -> ()
    %barrier3A_63 = arith.constant 0 : index
    tpu.barrier barrier_id(%barrier3A_63)
    %dma_start3A_64 = arith.constant 0 : i32
    %dma_start3A_65 = arith.constant 0 : i32
    %dma_start3A_66 = tpu.memref_slice %arg9[%dma_start3A_64, %dma_start3A_65] : memref<157x128xi32, #tpu.memory_space<vmem>> -> memref<1x128xi32, #tpu.memory_space<vmem>>
    %dma_start3A_67 = tpu.memref_squeeze %dma_start3A_66 : memref<1x128xi32, #tpu.memory_space<vmem>> -> memref<128xi32, #tpu.memory_space<vmem>>
    %dma_start3A_68 = arith.constant 0 : i32
    %dma_start3A_69 = arith.constant 0 : i32
    %dma_start3A_70 = tpu.memref_slice %arg7[%dma_start3A_68, %dma_start3A_69] : memref<10240x32xf32, #tpu.memory_space<vmem_shared>> -> memref<10240x32xf32, #tpu.memory_space<vmem_shared>>
    tpu.enqueue_indirect_dma source(%dma_start3A_70 : memref<10240x32xf32, #tpu.memory_space<vmem_shared>>) target(%arg11 : memref<128x32xf32, #tpu.memory_space<vmem>>) offsets(%dma_start3A_67 : memref<128xi32, #tpu.memory_space<vmem>>) semaphore(%arg16 : memref<!tpu.dma_semaphore, #tpu.memory_space<semaphore_mem>>)
    %scan3A_71 = arith.constant 0 : i32
    %scan3A_72 = arith.constant 0 : i32
    %scan3A_73 = arith.constant 78 : i32
    %scan3A_74 = arith.addi %scan3A_72, %scan3A_73 : i32
    %scan3A_75 = arith.constant 1 : i32
    scf.for %scan3A_152 = %scan3A_72 to %scan3A_74 step %scan3A_75  : i32 {
      %mul3A_153 = arith.constant 2 : i32
      %mul3A_154 = arith.muli %mul3A_153, %scan3A_152 : i32
      %add3A = arith.constant 1 : i32
      %add3A_155 = arith.addi %mul3A_154, %add3A : i32
      %dma_start3A_156 = arith.constant 0 : i32
      %dma_start3A_157 = tpu.memref_slice %arg9[%add3A_155, %dma_start3A_156] : memref<157x128xi32, #tpu.memory_space<vmem>> -> memref<1x128xi32, #tpu.memory_space<vmem>>
      %dma_start3A_158 = tpu.memref_squeeze %dma_start3A_157 : memref<1x128xi32, #tpu.memory_space<vmem>> -> memref<128xi32, #tpu.memory_space<vmem>>
      %dma_start3A_159 = arith.constant 0 : i32
      %dma_start3A_160 = arith.constant 0 : i32
      %dma_start3A_161 = tpu.memref_slice %arg7[%dma_start3A_159, %dma_start3A_160] : memref<10240x32xf32, #tpu.memory_space<vmem_shared>> -> memref<10240x32xf32, #tpu.memory_space<vmem_shared>>
      tpu.enqueue_indirect_dma source(%dma_start3A_161 : memref<10240x32xf32, #tpu.memory_space<vmem_shared>>) target(%arg12 : memref<128x32xf32, #tpu.memory_space<vmem>>) offsets(%dma_start3A_158 : memref<128xi32, #tpu.memory_space<vmem>>) semaphore(%arg17 : memref<!tpu.dma_semaphore, #tpu.memory_space<semaphore_mem>>)
      %dma_wait3A_162 = arith.constant 0 : i32
      %dma_wait3A_163 = tpu.memref_slice %arg9[%mul3A_154, %dma_wait3A_162] : memref<157x128xi32, #tpu.memory_space<vmem>> -> memref<1x128xi32, #tpu.memory_space<vmem>>
      %dma_wait3A_164 = tpu.memref_squeeze %dma_wait3A_163 : memref<1x128xi32, #tpu.memory_space<vmem>> -> memref<128xi32, #tpu.memory_space<vmem>>
      %dma_wait3A_165 = arith.constant 0 : i32
      %dma_wait3A_166 = arith.constant 0 : i32
      %dma_wait3A_167 = tpu.memref_slice %arg7[%dma_wait3A_165, %dma_wait3A_166] : memref<10240x32xf32, #tpu.memory_space<vmem_shared>> -> memref<10240x32xf32, #tpu.memory_space<vmem_shared>>
      tpu.wait_indirect_dma semaphore(%arg16 : memref<!tpu.dma_semaphore, #tpu.memory_space<semaphore_mem>>) src(%dma_wait3A_167 : memref<10240x32xf32, #tpu.memory_space<vmem_shared>>) dst(%arg11 : memref<128x32xf32, #tpu.memory_space<vmem>>)
      "tpu.region"() ({
        %run_scoped3A_182 = tpu.sem_alloc : memref<!tpu.dma_semaphore, #tpu.memory_space<semaphore_mem>>
        %dma_start3A_183 = arith.constant 0 : i32
        %dma_start3A_184 = tpu.memref_slice %arg10[%mul3A_154, %dma_start3A_183] : memref<157x128xi32, #tpu.memory_space<vmem>> -> memref<1x128xi32, #tpu.memory_space<vmem>>
        %dma_start3A_185 = tpu.memref_squeeze %dma_start3A_184 : memref<1x128xi32, #tpu.memory_space<vmem>> -> memref<128xi32, #tpu.memory_space<vmem>>
        %dma_start3A_186 = arith.constant 0 : i32
        %dma_start3A_187 = arith.constant 0 : i32
        %dma_start3A_188 = tpu.memref_slice %arg8[%dma_start3A_186, %dma_start3A_187] : memref<10240x32xf32, #tpu.memory_space<vmem_shared>> -> memref<10240x32xf32, #tpu.memory_space<vmem_shared>>
        tpu.enqueue_indirect_dma source(%arg11 : memref<128x32xf32, #tpu.memory_space<vmem>>) target(%dma_start3A_188 : memref<10240x32xf32, #tpu.memory_space<vmem_shared>>) offsets(%dma_start3A_185 : memref<128xi32, #tpu.memory_space<vmem>>) semaphore(%run_scoped3A_182 : memref<!tpu.dma_semaphore, #tpu.memory_space<semaphore_mem>>) {add = true}
        %dma_wait3A_189 = arith.constant 0 : i32
        %dma_wait3A_190 = tpu.memref_slice %arg10[%mul3A_154, %dma_wait3A_189] : memref<157x128xi32, #tpu.memory_space<vmem>> -> memref<1x128xi32, #tpu.memory_space<vmem>>
        %dma_wait3A_191 = tpu.memref_squeeze %dma_wait3A_190 : memref<1x128xi32, #tpu.memory_space<vmem>> -> memref<128xi32, #tpu.memory_space<vmem>>
        %dma_wait3A_192 = arith.constant 0 : i32
        %dma_wait3A_193 = arith.constant 0 : i32
        %dma_wait3A_194 = tpu.memref_slice %arg8[%dma_wait3A_192, %dma_wait3A_193] : memref<10240x32xf32, #tpu.memory_space<vmem_shared>> -> memref<10240x32xf32, #tpu.memory_space<vmem_shared>>
        tpu.wait_indirect_dma semaphore(%run_scoped3A_182 : memref<!tpu.dma_semaphore, #tpu.memory_space<semaphore_mem>>) src(%arg11 : memref<128x32xf32, #tpu.memory_space<vmem>>) dst(%dma_wait3A_194 : memref<10240x32xf32, #tpu.memory_space<vmem_shared>>)
        tpu.yield
      }) : () -> ()
      %add3A_168 = arith.constant 2 : i32
      %add3A_169 = arith.addi %mul3A_154, %add3A_168 : i32
      %dma_start3A_170 = arith.constant 0 : i32
      %dma_start3A_171 = tpu.memref_slice %arg9[%add3A_169, %dma_start3A_170] : memref<157x128xi32, #tpu.memory_space<vmem>> -> memref<1x128xi32, #tpu.memory_space<vmem>>
      %dma_start3A_172 = tpu.memref_squeeze %dma_start3A_171 : memref<1x128xi32, #tpu.memory_space<vmem>> -> memref<128xi32, #tpu.memory_space<vmem>>
      %dma_start3A_173 = arith.constant 0 : i32
      %dma_start3A_174 = arith.constant 0 : i32
      %dma_start3A_175 = tpu.memref_slice %arg7[%dma_start3A_173, %dma_start3A_174] : memref<10240x32xf32, #tpu.memory_space<vmem_shared>> -> memref<10240x32xf32, #tpu.memory_space<vmem_shared>>
      tpu.enqueue_indirect_dma source(%dma_start3A_175 : memref<10240x32xf32, #tpu.memory_space<vmem_shared>>) target(%arg11 : memref<128x32xf32, #tpu.memory_space<vmem>>) offsets(%dma_start3A_172 : memref<128xi32, #tpu.memory_space<vmem>>) semaphore(%arg16 : memref<!tpu.dma_semaphore, #tpu.memory_space<semaphore_mem>>)
      %dma_wait3A_176 = arith.constant 0 : i32
      %dma_wait3A_177 = tpu.memref_slice %arg9[%add3A_155, %dma_wait3A_176] : memref<157x128xi32, #tpu.memory_space<vmem>> -> memref<1x128xi32, #tpu.memory_space<vmem>>
      %dma_wait3A_178 = tpu.memref_squeeze %dma_wait3A_177 : memref<1x128xi32, #tpu.memory_space<vmem>> -> memref<128xi32, #tpu.memory_space<vmem>>
      %dma_wait3A_179 = arith.constant 0 : i32
      %dma_wait3A_180 = arith.constant 0 : i32
      %dma_wait3A_181 = tpu.memref_slice %arg7[%dma_wait3A_179, %dma_wait3A_180] : memref<10240x32xf32, #tpu.memory_space<vmem_shared>> -> memref<10240x32xf32, #tpu.memory_space<vmem_shared>>
      tpu.wait_indirect_dma semaphore(%arg17 : memref<!tpu.dma_semaphore, #tpu.memory_space<semaphore_mem>>) src(%dma_wait3A_181 : memref<10240x32xf32, #tpu.memory_space<vmem_shared>>) dst(%arg12 : memref<128x32xf32, #tpu.memory_space<vmem>>)
      "tpu.region"() ({
        %run_scoped3A_182 = tpu.sem_alloc : memref<!tpu.dma_semaphore, #tpu.memory_space<semaphore_mem>>
        %dma_start3A_183 = arith.constant 0 : i32
        %dma_start3A_184 = tpu.memref_slice %arg10[%add3A_155, %dma_start3A_183] : memref<157x128xi32, #tpu.memory_space<vmem>> -> memref<1x128xi32, #tpu.memory_space<vmem>>
        %dma_start3A_185 = tpu.memref_squeeze %dma_start3A_184 : memref<1x128xi32, #tpu.memory_space<vmem>> -> memref<128xi32, #tpu.memory_space<vmem>>
        %dma_start3A_186 = arith.constant 0 : i32
        %dma_start3A_187 = arith.constant 0 : i32
        %dma_start3A_188 = tpu.memref_slice %arg8[%dma_start3A_186, %dma_start3A_187] : memref<10240x32xf32, #tpu.memory_space<vmem_shared>> -> memref<10240x32xf32, #tpu.memory_space<vmem_shared>>
        tpu.enqueue_indirect_dma source(%arg12 : memref<128x32xf32, #tpu.memory_space<vmem>>) target(%dma_start3A_188 : memref<10240x32xf32, #tpu.memory_space<vmem_shared>>) offsets(%dma_start3A_185 : memref<128xi32, #tpu.memory_space<vmem>>) semaphore(%run_scoped3A_182 : memref<!tpu.dma_semaphore, #tpu.memory_space<semaphore_mem>>) {add = true}
        %dma_wait3A_189 = arith.constant 0 : i32
        %dma_wait3A_190 = tpu.memref_slice %arg10[%add3A_155, %dma_wait3A_189] : memref<157x128xi32, #tpu.memory_space<vmem>> -> memref<1x128xi32, #tpu.memory_space<vmem>>
        %dma_wait3A_191 = tpu.memref_squeeze %dma_wait3A_190 : memref<1x128xi32, #tpu.memory_space<vmem>> -> memref<128xi32, #tpu.memory_space<vmem>>
        %dma_wait3A_192 = arith.constant 0 : i32
        %dma_wait3A_193 = arith.constant 0 : i32
        %dma_wait3A_194 = tpu.memref_slice %arg8[%dma_wait3A_192, %dma_wait3A_193] : memref<10240x32xf32, #tpu.memory_space<vmem_shared>> -> memref<10240x32xf32, #tpu.memory_space<vmem_shared>>
        tpu.wait_indirect_dma semaphore(%run_scoped3A_182 : memref<!tpu.dma_semaphore, #tpu.memory_space<semaphore_mem>>) src(%arg12 : memref<128x32xf32, #tpu.memory_space<vmem>>) dst(%dma_wait3A_194 : memref<10240x32xf32, #tpu.memory_space<vmem_shared>>)
        tpu.yield
      }) : () -> ()
    }
    %scan3A_76 = arith.constant 78 : i32
    %dma_wait3A_77 = arith.constant 156 : i32
    %dma_wait3A_78 = arith.constant 0 : i32
    %dma_wait3A_79 = tpu.memref_slice %arg9[%dma_wait3A_77, %dma_wait3A_78] : memref<157x128xi32, #tpu.memory_space<vmem>> -> memref<1x128xi32, #tpu.memory_space<vmem>>
    %dma_wait3A_80 = tpu.memref_squeeze %dma_wait3A_79 : memref<1x128xi32, #tpu.memory_space<vmem>> -> memref<128xi32, #tpu.memory_space<vmem>>
    %dma_wait3A_81 = arith.constant 0 : i32
    %dma_wait3A_82 = arith.constant 0 : i32
    %dma_wait3A_83 = tpu.memref_slice %arg7[%dma_wait3A_81, %dma_wait3A_82] : memref<10240x32xf32, #tpu.memory_space<vmem_shared>> -> memref<10240x32xf32, #tpu.memory_space<vmem_shared>>
    tpu.wait_indirect_dma semaphore(%arg16 : memref<!tpu.dma_semaphore, #tpu.memory_space<semaphore_mem>>) src(%dma_wait3A_83 : memref<10240x32xf32, #tpu.memory_space<vmem_shared>>) dst(%arg11 : memref<128x32xf32, #tpu.memory_space<vmem>>)
    %run_scoped3A_84 = arith.constant 156 : i32
    "tpu.region"() ({
      %run_scoped3A_152 = tpu.sem_alloc : memref<!tpu.dma_semaphore, #tpu.memory_space<semaphore_mem>>
      %dma_start3A_153 = arith.constant 0 : i32
      %dma_start3A_154 = tpu.memref_slice %arg10[%run_scoped3A_84, %dma_start3A_153] : memref<157x128xi32, #tpu.memory_space<vmem>> -> memref<1x128xi32, #tpu.memory_space<vmem>>
      %dma_start3A_155 = tpu.memref_squeeze %dma_start3A_154 : memref<1x128xi32, #tpu.memory_space<vmem>> -> memref<128xi32, #tpu.memory_space<vmem>>
      %dma_start3A_156 = arith.constant 0 : i32
      %dma_start3A_157 = arith.constant 0 : i32
      %dma_start3A_158 = tpu.memref_slice %arg8[%dma_start3A_156, %dma_start3A_157] : memref<10240x32xf32, #tpu.memory_space<vmem_shared>> -> memref<10240x32xf32, #tpu.memory_space<vmem_shared>>
      tpu.enqueue_indirect_dma source(%arg11 : memref<128x32xf32, #tpu.memory_space<vmem>>) target(%dma_start3A_158 : memref<10240x32xf32, #tpu.memory_space<vmem_shared>>) offsets(%dma_start3A_155 : memref<128xi32, #tpu.memory_space<vmem>>) semaphore(%run_scoped3A_152 : memref<!tpu.dma_semaphore, #tpu.memory_space<semaphore_mem>>) {add = true}
      %dma_wait3A_159 = arith.constant 0 : i32
      %dma_wait3A_160 = tpu.memref_slice %arg10[%run_scoped3A_84, %dma_wait3A_159] : memref<157x128xi32, #tpu.memory_space<vmem>> -> memref<1x128xi32, #tpu.memory_space<vmem>>
      %dma_wait3A_161 = tpu.memref_squeeze %dma_wait3A_160 : memref<1x128xi32, #tpu.memory_space<vmem>> -> memref<128xi32, #tpu.memory_space<vmem>>
      %dma_wait3A_162 = arith.constant 0 : i32
      %dma_wait3A_163 = arith.constant 0 : i32
      %dma_wait3A_164 = tpu.memref_slice %arg8[%dma_wait3A_162, %dma_wait3A_163] : memref<10240x32xf32, #tpu.memory_space<vmem_shared>> -> memref<10240x32xf32, #tpu.memory_space<vmem_shared>>
      tpu.wait_indirect_dma semaphore(%run_scoped3A_152 : memref<!tpu.dma_semaphore, #tpu.memory_space<semaphore_mem>>) src(%arg11 : memref<128x32xf32, #tpu.memory_space<vmem>>) dst(%dma_wait3A_164 : memref<10240x32xf32, #tpu.memory_space<vmem_shared>>)
      tpu.yield
    }) : () -> ()
    %barrier3A_85 = arith.constant 0 : index
    tpu.barrier barrier_id(%barrier3A_85)
    "tpu.region"() ({
      %run_scoped3A_152 = tpu.sem_alloc : memref<!tpu.dma_semaphore, #tpu.memory_space<semaphore_mem>>
      %dma_start3A_153 = arith.constant 0 : i32
      %dma_start3A_154 = tpu.memref_slice %arg8[%mul3A_0, %dma_start3A_153] : memref<10240x32xf32, #tpu.memory_space<vmem_shared>> -> memref<640x32xf32, #tpu.memory_space<vmem_shared>>
      %dma_start3A_155 = arith.constant 0 : i32
      %dma_start3A_156 = tpu.memref_slice %arg8[%mul3A_0, %dma_start3A_155] : memref<10240x32xf32, #tpu.memory_space<vmem_shared>> -> memref<640x32xf32, #tpu.memory_space<vmem_shared>>
      tpu.enqueue_dma source(%dma_start3A_156 : memref<640x32xf32, #tpu.memory_space<vmem_shared>>) target(%arg13 : memref<640x32xf32, #tpu.memory_space<vmem>>) target_semaphore(%run_scoped3A_152 : memref<!tpu.dma_semaphore, #tpu.memory_space<semaphore_mem>>)
      %dma_wait3A_157 = arith.constant 0 : i32
      %dma_wait3A_158 = tpu.memref_slice %arg8[%mul3A_0, %dma_wait3A_157] : memref<10240x32xf32, #tpu.memory_space<vmem_shared>> -> memref<640x32xf32, #tpu.memory_space<vmem_shared>>
      %dma_wait3A_159 = arith.constant 0 : i32
      %dma_wait3A_160 = tpu.memref_slice %arg8[%mul3A_0, %dma_wait3A_159] : memref<10240x32xf32, #tpu.memory_space<vmem_shared>> -> memref<640x32xf32, #tpu.memory_space<vmem_shared>>
      tpu.wait_dma2 semaphore(%run_scoped3A_152 : memref<!tpu.dma_semaphore, #tpu.memory_space<semaphore_mem>>) src(%dma_wait3A_160 : memref<640x32xf32, #tpu.memory_space<vmem_shared>>) dst(%arg13 : memref<640x32xf32, #tpu.memory_space<vmem>>)
      tpu.yield
    }) : () -> ()
    %scan3A_86 = arith.constant 0 : i32
    %scan3A_87 = arith.constant 0 : i32
    %scan3A_88 = arith.constant 640 : i32
    %scan3A_89 = arith.addi %scan3A_87, %scan3A_88 : i32
    %scan3A_90 = arith.constant 1 : i32
    scf.for %scan3A_152 = %scan3A_87 to %scan3A_89 step %scan3A_90  : i32 {
      %broadcast_in_dim3A = vector.broadcast %scan3A_152 : i32 to vector<16xi32>
      %gather3A = tpu.vector_load_idx %arg14[%broadcast_in_dim3A] : memref<640xf32, #tpu.memory_space<vmem>>[vector<16xi32>], vector<16xf32>,
      %mul3A_153 = arith.mulf %gather3A, %gather3A : vector<16xf32>
      %get3A = arith.index_cast %scan3A_152 : i32 to index
      %get3A_154 = arith.constant 0 : index
      %get3A_155 = tpu.vector_load %arg13[%get3A, %get3A_154] {strides = array<i32>} : memref<640x32xf32, #tpu.memory_space<vmem>>, vector<16xf32>,
      %mul3A_156 = arith.mulf %get3A_155, %mul3A_153 : vector<16xf32>
      %swap3A = arith.index_cast %scan3A_152 : i32 to index
      %swap3A_157 = arith.constant 0 : index
      %swap3A_158 = tpu.vector_load %arg13[%swap3A, %swap3A_157] {strides = array<i32>} : memref<640x32xf32, #tpu.memory_space<vmem>>, vector<16xf32>,
      tpu.vector_store %arg13[%swap3A, %swap3A_157], %mul3A_156 {strides = array<i32>} : memref<640x32xf32, #tpu.memory_space<vmem>>, vector<16xf32>,
      %get3A_159 = arith.index_cast %scan3A_152 : i32 to index
      %get3A_160 = arith.constant 16 : index
      %get3A_161 = tpu.vector_load %arg13[%get3A_159, %get3A_160] {strides = array<i32>} : memref<640x32xf32, #tpu.memory_space<vmem>>, vector<16xf32>,
      %mul3A_162 = arith.mulf %get3A_161, %mul3A_153 : vector<16xf32>
      %swap3A_163 = arith.index_cast %scan3A_152 : i32 to index
      %swap3A_164 = arith.constant 16 : index
      %swap3A_165 = tpu.vector_load %arg13[%swap3A_163, %swap3A_164] {strides = array<i32>} : memref<640x32xf32, #tpu.memory_space<vmem>>, vector<16xf32>,
      tpu.vector_store %arg13[%swap3A_163, %swap3A_164], %mul3A_162 {strides = array<i32>} : memref<640x32xf32, #tpu.memory_space<vmem>>, vector<16xf32>,
    }
    %scan3A_91 = arith.constant 640 : i32
    "tpu.region"() ({
      %run_scoped3A_152 = tpu.sem_alloc : memref<!tpu.dma_semaphore, #tpu.memory_space<semaphore_mem>>
      %dma_start3A_153 = arith.constant 0 : i32
      %dma_start3A_154 = tpu.memref_slice %arg7[%mul3A_0, %dma_start3A_153] : memref<10240x32xf32, #tpu.memory_space<vmem_shared>> -> memref<640x32xf32, #tpu.memory_space<vmem_shared>>
      %dma_start3A_155 = arith.constant 0 : i32
      %dma_start3A_156 = tpu.memref_slice %arg7[%mul3A_0, %dma_start3A_155] : memref<10240x32xf32, #tpu.memory_space<vmem_shared>> -> memref<640x32xf32, #tpu.memory_space<vmem_shared>>
      tpu.enqueue_dma source(%arg13 : memref<640x32xf32, #tpu.memory_space<vmem>>) target(%dma_start3A_156 : memref<640x32xf32, #tpu.memory_space<vmem_shared>>) target_semaphore(%run_scoped3A_152 : memref<!tpu.dma_semaphore, #tpu.memory_space<semaphore_mem>>)
      %dma_wait3A_157 = arith.constant 0 : i32
      %dma_wait3A_158 = tpu.memref_slice %arg7[%mul3A_0, %dma_wait3A_157] : memref<10240x32xf32, #tpu.memory_space<vmem_shared>> -> memref<640x32xf32, #tpu.memory_space<vmem_shared>>
      %dma_wait3A_159 = arith.constant 0 : i32
      %dma_wait3A_160 = tpu.memref_slice %arg7[%mul3A_0, %dma_wait3A_159] : memref<10240x32xf32, #tpu.memory_space<vmem_shared>> -> memref<640x32xf32, #tpu.memory_space<vmem_shared>>
      tpu.wait_dma2 semaphore(%run_scoped3A_152 : memref<!tpu.dma_semaphore, #tpu.memory_space<semaphore_mem>>) src(%arg13 : memref<640x32xf32, #tpu.memory_space<vmem>>) dst(%dma_wait3A_160 : memref<640x32xf32, #tpu.memory_space<vmem_shared>>)
      tpu.yield
    }) : () -> ()
    "tpu.region"() ({
      %run_scoped3A_152 = tpu.sem_alloc : memref<!tpu.dma_semaphore, #tpu.memory_space<semaphore_mem>>
      %dma_start3A_153 = arith.constant 0 : i32
      %dma_start3A_154 = tpu.memref_slice %arg8[%mul3A_0, %dma_start3A_153] : memref<10240x32xf32, #tpu.memory_space<vmem_shared>> -> memref<640x32xf32, #tpu.memory_space<vmem_shared>>
      %dma_start3A_155 = arith.constant 0 : i32
      %dma_start3A_156 = tpu.memref_slice %arg8[%mul3A_0, %dma_start3A_155] : memref<10240x32xf32, #tpu.memory_space<vmem_shared>> -> memref<640x32xf32, #tpu.memory_space<vmem_shared>>
      tpu.enqueue_dma source(%arg15 : memref<640x32xf32, #tpu.memory_space<vmem>>) target(%dma_start3A_156 : memref<640x32xf32, #tpu.memory_space<vmem_shared>>) target_semaphore(%run_scoped3A_152 : memref<!tpu.dma_semaphore, #tpu.memory_space<semaphore_mem>>)
      %dma_wait3A_157 = arith.constant 0 : i32
      %dma_wait3A_158 = tpu.memref_slice %arg8[%mul3A_0, %dma_wait3A_157] : memref<10240x32xf32, #tpu.memory_space<vmem_shared>> -> memref<640x32xf32, #tpu.memory_space<vmem_shared>>
      %dma_wait3A_159 = arith.constant 0 : i32
      %dma_wait3A_160 = tpu.memref_slice %arg8[%mul3A_0, %dma_wait3A_159] : memref<10240x32xf32, #tpu.memory_space<vmem_shared>> -> memref<640x32xf32, #tpu.memory_space<vmem_shared>>
      tpu.wait_dma2 semaphore(%run_scoped3A_152 : memref<!tpu.dma_semaphore, #tpu.memory_space<semaphore_mem>>) src(%arg15 : memref<640x32xf32, #tpu.memory_space<vmem>>) dst(%dma_wait3A_160 : memref<640x32xf32, #tpu.memory_space<vmem_shared>>)
      tpu.yield
    }) : () -> ()
    %barrier3A_92 = arith.constant 0 : index
    tpu.barrier barrier_id(%barrier3A_92)
    %dma_start3A_93 = arith.constant 0 : i32
    %dma_start3A_94 = arith.constant 0 : i32
    %dma_start3A_95 = tpu.memref_slice %arg9[%dma_start3A_93, %dma_start3A_94] : memref<157x128xi32, #tpu.memory_space<vmem>> -> memref<1x128xi32, #tpu.memory_space<vmem>>
    %dma_start3A_96 = tpu.memref_squeeze %dma_start3A_95 : memref<1x128xi32, #tpu.memory_space<vmem>> -> memref<128xi32, #tpu.memory_space<vmem>>
    %dma_start3A_97 = arith.constant 0 : i32
    %dma_start3A_98 = arith.constant 0 : i32
    %dma_start3A_99 = tpu.memref_slice %arg7[%dma_start3A_97, %dma_start3A_98] : memref<10240x32xf32, #tpu.memory_space<vmem_shared>> -> memref<10240x32xf32, #tpu.memory_space<vmem_shared>>
    tpu.enqueue_indirect_dma source(%dma_start3A_99 : memref<10240x32xf32, #tpu.memory_space<vmem_shared>>) target(%arg11 : memref<128x32xf32, #tpu.memory_space<vmem>>) offsets(%dma_start3A_96 : memref<128xi32, #tpu.memory_space<vmem>>) semaphore(%arg16 : memref<!tpu.dma_semaphore, #tpu.memory_space<semaphore_mem>>)
    %scan3A_100 = arith.constant 0 : i32
    %scan3A_101 = arith.constant 0 : i32
    %scan3A_102 = arith.constant 78 : i32
    %scan3A_103 = arith.addi %scan3A_101, %scan3A_102 : i32
    %scan3A_104 = arith.constant 1 : i32
    scf.for %scan3A_152 = %scan3A_101 to %scan3A_103 step %scan3A_104  : i32 {
      %mul3A_153 = arith.constant 2 : i32
      %mul3A_154 = arith.muli %mul3A_153, %scan3A_152 : i32
      %add3A = arith.constant 1 : i32
      %add3A_155 = arith.addi %mul3A_154, %add3A : i32
      %dma_start3A_156 = arith.constant 0 : i32
      %dma_start3A_157 = tpu.memref_slice %arg9[%add3A_155, %dma_start3A_156] : memref<157x128xi32, #tpu.memory_space<vmem>> -> memref<1x128xi32, #tpu.memory_space<vmem>>
      %dma_start3A_158 = tpu.memref_squeeze %dma_start3A_157 : memref<1x128xi32, #tpu.memory_space<vmem>> -> memref<128xi32, #tpu.memory_space<vmem>>
      %dma_start3A_159 = arith.constant 0 : i32
      %dma_start3A_160 = arith.constant 0 : i32
      %dma_start3A_161 = tpu.memref_slice %arg7[%dma_start3A_159, %dma_start3A_160] : memref<10240x32xf32, #tpu.memory_space<vmem_shared>> -> memref<10240x32xf32, #tpu.memory_space<vmem_shared>>
      tpu.enqueue_indirect_dma source(%dma_start3A_161 : memref<10240x32xf32, #tpu.memory_space<vmem_shared>>) target(%arg12 : memref<128x32xf32, #tpu.memory_space<vmem>>) offsets(%dma_start3A_158 : memref<128xi32, #tpu.memory_space<vmem>>) semaphore(%arg17 : memref<!tpu.dma_semaphore, #tpu.memory_space<semaphore_mem>>)
      %dma_wait3A_162 = arith.constant 0 : i32
      %dma_wait3A_163 = tpu.memref_slice %arg9[%mul3A_154, %dma_wait3A_162] : memref<157x128xi32, #tpu.memory_space<vmem>> -> memref<1x128xi32, #tpu.memory_space<vmem>>
      %dma_wait3A_164 = tpu.memref_squeeze %dma_wait3A_163 : memref<1x128xi32, #tpu.memory_space<vmem>> -> memref<128xi32, #tpu.memory_space<vmem>>
      %dma_wait3A_165 = arith.constant 0 : i32
      %dma_wait3A_166 = arith.constant 0 : i32
      %dma_wait3A_167 = tpu.memref_slice %arg7[%dma_wait3A_165, %dma_wait3A_166] : memref<10240x32xf32, #tpu.memory_space<vmem_shared>> -> memref<10240x32xf32, #tpu.memory_space<vmem_shared>>
      tpu.wait_indirect_dma semaphore(%arg16 : memref<!tpu.dma_semaphore, #tpu.memory_space<semaphore_mem>>) src(%dma_wait3A_167 : memref<10240x32xf32, #tpu.memory_space<vmem_shared>>) dst(%arg11 : memref<128x32xf32, #tpu.memory_space<vmem>>)
      "tpu.region"() ({
        %run_scoped3A_182 = tpu.sem_alloc : memref<!tpu.dma_semaphore, #tpu.memory_space<semaphore_mem>>
        %dma_start3A_183 = arith.constant 0 : i32
        %dma_start3A_184 = tpu.memref_slice %arg10[%mul3A_154, %dma_start3A_183] : memref<157x128xi32, #tpu.memory_space<vmem>> -> memref<1x128xi32, #tpu.memory_space<vmem>>
        %dma_start3A_185 = tpu.memref_squeeze %dma_start3A_184 : memref<1x128xi32, #tpu.memory_space<vmem>> -> memref<128xi32, #tpu.memory_space<vmem>>
        %dma_start3A_186 = arith.constant 0 : i32
        %dma_start3A_187 = arith.constant 0 : i32
        %dma_start3A_188 = tpu.memref_slice %arg8[%dma_start3A_186, %dma_start3A_187] : memref<10240x32xf32, #tpu.memory_space<vmem_shared>> -> memref<10240x32xf32, #tpu.memory_space<vmem_shared>>
        tpu.enqueue_indirect_dma source(%arg11 : memref<128x32xf32, #tpu.memory_space<vmem>>) target(%dma_start3A_188 : memref<10240x32xf32, #tpu.memory_space<vmem_shared>>) offsets(%dma_start3A_185 : memref<128xi32, #tpu.memory_space<vmem>>) semaphore(%run_scoped3A_182 : memref<!tpu.dma_semaphore, #tpu.memory_space<semaphore_mem>>) {add = true}
        %dma_wait3A_189 = arith.constant 0 : i32
        %dma_wait3A_190 = tpu.memref_slice %arg10[%mul3A_154, %dma_wait3A_189] : memref<157x128xi32, #tpu.memory_space<vmem>> -> memref<1x128xi32, #tpu.memory_space<vmem>>
        %dma_wait3A_191 = tpu.memref_squeeze %dma_wait3A_190 : memref<1x128xi32, #tpu.memory_space<vmem>> -> memref<128xi32, #tpu.memory_space<vmem>>
        %dma_wait3A_192 = arith.constant 0 : i32
        %dma_wait3A_193 = arith.constant 0 : i32
        %dma_wait3A_194 = tpu.memref_slice %arg8[%dma_wait3A_192, %dma_wait3A_193] : memref<10240x32xf32, #tpu.memory_space<vmem_shared>> -> memref<10240x32xf32, #tpu.memory_space<vmem_shared>>
        tpu.wait_indirect_dma semaphore(%run_scoped3A_182 : memref<!tpu.dma_semaphore, #tpu.memory_space<semaphore_mem>>) src(%arg11 : memref<128x32xf32, #tpu.memory_space<vmem>>) dst(%dma_wait3A_194 : memref<10240x32xf32, #tpu.memory_space<vmem_shared>>)
        tpu.yield
      }) : () -> ()
      %add3A_168 = arith.constant 2 : i32
      %add3A_169 = arith.addi %mul3A_154, %add3A_168 : i32
      %dma_start3A_170 = arith.constant 0 : i32
      %dma_start3A_171 = tpu.memref_slice %arg9[%add3A_169, %dma_start3A_170] : memref<157x128xi32, #tpu.memory_space<vmem>> -> memref<1x128xi32, #tpu.memory_space<vmem>>
      %dma_start3A_172 = tpu.memref_squeeze %dma_start3A_171 : memref<1x128xi32, #tpu.memory_space<vmem>> -> memref<128xi32, #tpu.memory_space<vmem>>
      %dma_start3A_173 = arith.constant 0 : i32
      %dma_start3A_174 = arith.constant 0 : i32
      %dma_start3A_175 = tpu.memref_slice %arg7[%dma_start3A_173, %dma_start3A_174] : memref<10240x32xf32, #tpu.memory_space<vmem_shared>> -> memref<10240x32xf32, #tpu.memory_space<vmem_shared>>
      tpu.enqueue_indirect_dma source(%dma_start3A_175 : memref<10240x32xf32, #tpu.memory_space<vmem_shared>>) target(%arg11 : memref<128x32xf32, #tpu.memory_space<vmem>>) offsets(%dma_start3A_172 : memref<128xi32, #tpu.memory_space<vmem>>) semaphore(%arg16 : memref<!tpu.dma_semaphore, #tpu.memory_space<semaphore_mem>>)
      %dma_wait3A_176 = arith.constant 0 : i32
      %dma_wait3A_177 = tpu.memref_slice %arg9[%add3A_155, %dma_wait3A_176] : memref<157x128xi32, #tpu.memory_space<vmem>> -> memref<1x128xi32, #tpu.memory_space<vmem>>
      %dma_wait3A_178 = tpu.memref_squeeze %dma_wait3A_177 : memref<1x128xi32, #tpu.memory_space<vmem>> -> memref<128xi32, #tpu.memory_space<vmem>>
      %dma_wait3A_179 = arith.constant 0 : i32
      %dma_wait3A_180 = arith.constant 0 : i32
      %dma_wait3A_181 = tpu.memref_slice %arg7[%dma_wait3A_179, %dma_wait3A_180] : memref<10240x32xf32, #tpu.memory_space<vmem_shared>> -> memref<10240x32xf32, #tpu.memory_space<vmem_shared>>
      tpu.wait_indirect_dma semaphore(%arg17 : memref<!tpu.dma_semaphore, #tpu.memory_space<semaphore_mem>>) src(%dma_wait3A_181 : memref<10240x32xf32, #tpu.memory_space<vmem_shared>>) dst(%arg12 : memref<128x32xf32, #tpu.memory_space<vmem>>)
      "tpu.region"() ({
        %run_scoped3A_182 = tpu.sem_alloc : memref<!tpu.dma_semaphore, #tpu.memory_space<semaphore_mem>>
        %dma_start3A_183 = arith.constant 0 : i32
        %dma_start3A_184 = tpu.memref_slice %arg10[%add3A_155, %dma_start3A_183] : memref<157x128xi32, #tpu.memory_space<vmem>> -> memref<1x128xi32, #tpu.memory_space<vmem>>
        %dma_start3A_185 = tpu.memref_squeeze %dma_start3A_184 : memref<1x128xi32, #tpu.memory_space<vmem>> -> memref<128xi32, #tpu.memory_space<vmem>>
        %dma_start3A_186 = arith.constant 0 : i32
        %dma_start3A_187 = arith.constant 0 : i32
        %dma_start3A_188 = tpu.memref_slice %arg8[%dma_start3A_186, %dma_start3A_187] : memref<10240x32xf32, #tpu.memory_space<vmem_shared>> -> memref<10240x32xf32, #tpu.memory_space<vmem_shared>>
        tpu.enqueue_indirect_dma source(%arg12 : memref<128x32xf32, #tpu.memory_space<vmem>>) target(%dma_start3A_188 : memref<10240x32xf32, #tpu.memory_space<vmem_shared>>) offsets(%dma_start3A_185 : memref<128xi32, #tpu.memory_space<vmem>>) semaphore(%run_scoped3A_182 : memref<!tpu.dma_semaphore, #tpu.memory_space<semaphore_mem>>) {add = true}
        %dma_wait3A_189 = arith.constant 0 : i32
        %dma_wait3A_190 = tpu.memref_slice %arg10[%add3A_155, %dma_wait3A_189] : memref<157x128xi32, #tpu.memory_space<vmem>> -> memref<1x128xi32, #tpu.memory_space<vmem>>
        %dma_wait3A_191 = tpu.memref_squeeze %dma_wait3A_190 : memref<1x128xi32, #tpu.memory_space<vmem>> -> memref<128xi32, #tpu.memory_space<vmem>>
        %dma_wait3A_192 = arith.constant 0 : i32
        %dma_wait3A_193 = arith.constant 0 : i32
        %dma_wait3A_194 = tpu.memref_slice %arg8[%dma_wait3A_192, %dma_wait3A_193] : memref<10240x32xf32, #tpu.memory_space<vmem_shared>> -> memref<10240x32xf32, #tpu.memory_space<vmem_shared>>
        tpu.wait_indirect_dma semaphore(%run_scoped3A_182 : memref<!tpu.dma_semaphore, #tpu.memory_space<semaphore_mem>>) src(%arg12 : memref<128x32xf32, #tpu.memory_space<vmem>>) dst(%dma_wait3A_194 : memref<10240x32xf32, #tpu.memory_space<vmem_shared>>)
        tpu.yield
      }) : () -> ()
    }
    %scan3A_105 = arith.constant 78 : i32
    %dma_wait3A_106 = arith.constant 156 : i32
    %dma_wait3A_107 = arith.constant 0 : i32
    %dma_wait3A_108 = tpu.memref_slice %arg9[%dma_wait3A_106, %dma_wait3A_107] : memref<157x128xi32, #tpu.memory_space<vmem>> -> memref<1x128xi32, #tpu.memory_space<vmem>>
    %dma_wait3A_109 = tpu.memref_squeeze %dma_wait3A_108 : memref<1x128xi32, #tpu.memory_space<vmem>> -> memref<128xi32, #tpu.memory_space<vmem>>
    %dma_wait3A_110 = arith.constant 0 : i32
    %dma_wait3A_111 = arith.constant 0 : i32
    %dma_wait3A_112 = tpu.memref_slice %arg7[%dma_wait3A_110, %dma_wait3A_111] : memref<10240x32xf32, #tpu.memory_space<vmem_shared>> -> memref<10240x32xf32, #tpu.memory_space<vmem_shared>>
    tpu.wait_indirect_dma semaphore(%arg16 : memref<!tpu.dma_semaphore, #tpu.memory_space<semaphore_mem>>) src(%dma_wait3A_112 : memref<10240x32xf32, #tpu.memory_space<vmem_shared>>) dst(%arg11 : memref<128x32xf32, #tpu.memory_space<vmem>>)
    %run_scoped3A_113 = arith.constant 156 : i32
    "tpu.region"() ({
      %run_scoped3A_152 = tpu.sem_alloc : memref<!tpu.dma_semaphore, #tpu.memory_space<semaphore_mem>>
      %dma_start3A_153 = arith.constant 0 : i32
      %dma_start3A_154 = tpu.memref_slice %arg10[%run_scoped3A_113, %dma_start3A_153] : memref<157x128xi32, #tpu.memory_space<vmem>> -> memref<1x128xi32, #tpu.memory_space<vmem>>
      %dma_start3A_155 = tpu.memref_squeeze %dma_start3A_154 : memref<1x128xi32, #tpu.memory_space<vmem>> -> memref<128xi32, #tpu.memory_space<vmem>>
      %dma_start3A_156 = arith.constant 0 : i32
      %dma_start3A_157 = arith.constant 0 : i32
      %dma_start3A_158 = tpu.memref_slice %arg8[%dma_start3A_156, %dma_start3A_157] : memref<10240x32xf32, #tpu.memory_space<vmem_shared>> -> memref<10240x32xf32, #tpu.memory_space<vmem_shared>>
      tpu.enqueue_indirect_dma source(%arg11 : memref<128x32xf32, #tpu.memory_space<vmem>>) target(%dma_start3A_158 : memref<10240x32xf32, #tpu.memory_space<vmem_shared>>) offsets(%dma_start3A_155 : memref<128xi32, #tpu.memory_space<vmem>>) semaphore(%run_scoped3A_152 : memref<!tpu.dma_semaphore, #tpu.memory_space<semaphore_mem>>) {add = true}
      %dma_wait3A_159 = arith.constant 0 : i32
      %dma_wait3A_160 = tpu.memref_slice %arg10[%run_scoped3A_113, %dma_wait3A_159] : memref<157x128xi32, #tpu.memory_space<vmem>> -> memref<1x128xi32, #tpu.memory_space<vmem>>
      %dma_wait3A_161 = tpu.memref_squeeze %dma_wait3A_160 : memref<1x128xi32, #tpu.memory_space<vmem>> -> memref<128xi32, #tpu.memory_space<vmem>>
      %dma_wait3A_162 = arith.constant 0 : i32
      %dma_wait3A_163 = arith.constant 0 : i32
      %dma_wait3A_164 = tpu.memref_slice %arg8[%dma_wait3A_162, %dma_wait3A_163] : memref<10240x32xf32, #tpu.memory_space<vmem_shared>> -> memref<10240x32xf32, #tpu.memory_space<vmem_shared>>
      tpu.wait_indirect_dma semaphore(%run_scoped3A_152 : memref<!tpu.dma_semaphore, #tpu.memory_space<semaphore_mem>>) src(%arg11 : memref<128x32xf32, #tpu.memory_space<vmem>>) dst(%dma_wait3A_164 : memref<10240x32xf32, #tpu.memory_space<vmem_shared>>)
      tpu.yield
    }) : () -> ()
    %barrier3A_114 = arith.constant 0 : index
    tpu.barrier barrier_id(%barrier3A_114)
    "tpu.region"() ({
      %run_scoped3A_152 = tpu.sem_alloc : memref<!tpu.dma_semaphore, #tpu.memory_space<semaphore_mem>>
      %dma_start3A_153 = arith.constant 0 : i32
      %dma_start3A_154 = tpu.memref_slice %arg8[%mul3A_0, %dma_start3A_153] : memref<10240x32xf32, #tpu.memory_space<vmem_shared>> -> memref<640x32xf32, #tpu.memory_space<vmem_shared>>
      %dma_start3A_155 = arith.constant 0 : i32
      %dma_start3A_156 = tpu.memref_slice %arg8[%mul3A_0, %dma_start3A_155] : memref<10240x32xf32, #tpu.memory_space<vmem_shared>> -> memref<640x32xf32, #tpu.memory_space<vmem_shared>>
      tpu.enqueue_dma source(%dma_start3A_156 : memref<640x32xf32, #tpu.memory_space<vmem_shared>>) target(%arg13 : memref<640x32xf32, #tpu.memory_space<vmem>>) target_semaphore(%run_scoped3A_152 : memref<!tpu.dma_semaphore, #tpu.memory_space<semaphore_mem>>)
      %dma_wait3A_157 = arith.constant 0 : i32
      %dma_wait3A_158 = tpu.memref_slice %arg8[%mul3A_0, %dma_wait3A_157] : memref<10240x32xf32, #tpu.memory_space<vmem_shared>> -> memref<640x32xf32, #tpu.memory_space<vmem_shared>>
      %dma_wait3A_159 = arith.constant 0 : i32
      %dma_wait3A_160 = tpu.memref_slice %arg8[%mul3A_0, %dma_wait3A_159] : memref<10240x32xf32, #tpu.memory_space<vmem_shared>> -> memref<640x32xf32, #tpu.memory_space<vmem_shared>>
      tpu.wait_dma2 semaphore(%run_scoped3A_152 : memref<!tpu.dma_semaphore, #tpu.memory_space<semaphore_mem>>) src(%dma_wait3A_160 : memref<640x32xf32, #tpu.memory_space<vmem_shared>>) dst(%arg13 : memref<640x32xf32, #tpu.memory_space<vmem>>)
      tpu.yield
    }) : () -> ()
    %scan3A_115 = arith.constant 0 : i32
    %scan3A_116 = arith.constant 0 : i32
    %scan3A_117 = arith.constant 640 : i32
    %scan3A_118 = arith.addi %scan3A_116, %scan3A_117 : i32
    %scan3A_119 = arith.constant 1 : i32
    scf.for %scan3A_152 = %scan3A_116 to %scan3A_118 step %scan3A_119  : i32 {
      %broadcast_in_dim3A = vector.broadcast %scan3A_152 : i32 to vector<16xi32>
      %gather3A = tpu.vector_load_idx %arg14[%broadcast_in_dim3A] : memref<640xf32, #tpu.memory_space<vmem>>[vector<16xi32>], vector<16xf32>,
      %mul3A_153 = arith.mulf %gather3A, %gather3A : vector<16xf32>
      %get3A = arith.index_cast %scan3A_152 : i32 to index
      %get3A_154 = arith.constant 0 : index
      %get3A_155 = tpu.vector_load %arg13[%get3A, %get3A_154] {strides = array<i32>} : memref<640x32xf32, #tpu.memory_space<vmem>>, vector<16xf32>,
      %mul3A_156 = arith.mulf %get3A_155, %mul3A_153 : vector<16xf32>
      %swap3A = arith.index_cast %scan3A_152 : i32 to index
      %swap3A_157 = arith.constant 0 : index
      %swap3A_158 = tpu.vector_load %arg13[%swap3A, %swap3A_157] {strides = array<i32>} : memref<640x32xf32, #tpu.memory_space<vmem>>, vector<16xf32>,
      tpu.vector_store %arg13[%swap3A, %swap3A_157], %mul3A_156 {strides = array<i32>} : memref<640x32xf32, #tpu.memory_space<vmem>>, vector<16xf32>,
      %get3A_159 = arith.index_cast %scan3A_152 : i32 to index
      %get3A_160 = arith.constant 16 : index
      %get3A_161 = tpu.vector_load %arg13[%get3A_159, %get3A_160] {strides = array<i32>} : memref<640x32xf32, #tpu.memory_space<vmem>>, vector<16xf32>,
      %mul3A_162 = arith.mulf %get3A_161, %mul3A_153 : vector<16xf32>
      %swap3A_163 = arith.index_cast %scan3A_152 : i32 to index
      %swap3A_164 = arith.constant 16 : index
      %swap3A_165 = tpu.vector_load %arg13[%swap3A_163, %swap3A_164] {strides = array<i32>} : memref<640x32xf32, #tpu.memory_space<vmem>>, vector<16xf32>,
      tpu.vector_store %arg13[%swap3A_163, %swap3A_164], %mul3A_162 {strides = array<i32>} : memref<640x32xf32, #tpu.memory_space<vmem>>, vector<16xf32>,
    }
    %scan3A_120 = arith.constant 640 : i32
    "tpu.region"() ({
      %run_scoped3A_152 = tpu.sem_alloc : memref<!tpu.dma_semaphore, #tpu.memory_space<semaphore_mem>>
      %dma_start3A_153 = arith.constant 0 : i32
      %dma_start3A_154 = tpu.memref_slice %arg7[%mul3A_0, %dma_start3A_153] : memref<10240x32xf32, #tpu.memory_space<vmem_shared>> -> memref<640x32xf32, #tpu.memory_space<vmem_shared>>
      %dma_start3A_155 = arith.constant 0 : i32
      %dma_start3A_156 = tpu.memref_slice %arg7[%mul3A_0, %dma_start3A_155] : memref<10240x32xf32, #tpu.memory_space<vmem_shared>> -> memref<640x32xf32, #tpu.memory_space<vmem_shared>>
      tpu.enqueue_dma source(%arg13 : memref<640x32xf32, #tpu.memory_space<vmem>>) target(%dma_start3A_156 : memref<640x32xf32, #tpu.memory_space<vmem_shared>>) target_semaphore(%run_scoped3A_152 : memref<!tpu.dma_semaphore, #tpu.memory_space<semaphore_mem>>)
      %dma_wait3A_157 = arith.constant 0 : i32
      %dma_wait3A_158 = tpu.memref_slice %arg7[%mul3A_0, %dma_wait3A_157] : memref<10240x32xf32, #tpu.memory_space<vmem_shared>> -> memref<640x32xf32, #tpu.memory_space<vmem_shared>>
      %dma_wait3A_159 = arith.constant 0 : i32
      %dma_wait3A_160 = tpu.memref_slice %arg7[%mul3A_0, %dma_wait3A_159] : memref<10240x32xf32, #tpu.memory_space<vmem_shared>> -> memref<640x32xf32, #tpu.memory_space<vmem_shared>>
      tpu.wait_dma2 semaphore(%run_scoped3A_152 : memref<!tpu.dma_semaphore, #tpu.memory_space<semaphore_mem>>) src(%arg13 : memref<640x32xf32, #tpu.memory_space<vmem>>) dst(%dma_wait3A_160 : memref<640x32xf32, #tpu.memory_space<vmem_shared>>)
      tpu.yield
    }) : () -> ()
    "tpu.region"() ({
      %run_scoped3A_152 = tpu.sem_alloc : memref<!tpu.dma_semaphore, #tpu.memory_space<semaphore_mem>>
      %dma_start3A_153 = arith.constant 0 : i32
      %dma_start3A_154 = tpu.memref_slice %arg8[%mul3A_0, %dma_start3A_153] : memref<10240x32xf32, #tpu.memory_space<vmem_shared>> -> memref<640x32xf32, #tpu.memory_space<vmem_shared>>
      %dma_start3A_155 = arith.constant 0 : i32
      %dma_start3A_156 = tpu.memref_slice %arg8[%mul3A_0, %dma_start3A_155] : memref<10240x32xf32, #tpu.memory_space<vmem_shared>> -> memref<640x32xf32, #tpu.memory_space<vmem_shared>>
      tpu.enqueue_dma source(%arg15 : memref<640x32xf32, #tpu.memory_space<vmem>>) target(%dma_start3A_156 : memref<640x32xf32, #tpu.memory_space<vmem_shared>>) target_semaphore(%run_scoped3A_152 : memref<!tpu.dma_semaphore, #tpu.memory_space<semaphore_mem>>)
      %dma_wait3A_157 = arith.constant 0 : i32
      %dma_wait3A_158 = tpu.memref_slice %arg8[%mul3A_0, %dma_wait3A_157] : memref<10240x32xf32, #tpu.memory_space<vmem_shared>> -> memref<640x32xf32, #tpu.memory_space<vmem_shared>>
      %dma_wait3A_159 = arith.constant 0 : i32
      %dma_wait3A_160 = tpu.memref_slice %arg8[%mul3A_0, %dma_wait3A_159] : memref<10240x32xf32, #tpu.memory_space<vmem_shared>> -> memref<640x32xf32, #tpu.memory_space<vmem_shared>>
      tpu.wait_dma2 semaphore(%run_scoped3A_152 : memref<!tpu.dma_semaphore, #tpu.memory_space<semaphore_mem>>) src(%arg15 : memref<640x32xf32, #tpu.memory_space<vmem>>) dst(%dma_wait3A_160 : memref<640x32xf32, #tpu.memory_space<vmem_shared>>)
      tpu.yield
    }) : () -> ()
    %barrier3A_121 = arith.constant 0 : index
    tpu.barrier barrier_id(%barrier3A_121)
    %dma_start3A_122 = arith.constant 0 : i32
    %dma_start3A_123 = arith.constant 0 : i32
    %dma_start3A_124 = tpu.memref_slice %arg9[%dma_start3A_122, %dma_start3A_123] : memref<157x128xi32, #tpu.memory_space<vmem>> -> memref<1x128xi32, #tpu.memory_space<vmem>>
    %dma_start3A_125 = tpu.memref_squeeze %dma_start3A_124 : memref<1x128xi32, #tpu.memory_space<vmem>> -> memref<128xi32, #tpu.memory_space<vmem>>
    %dma_start3A_126 = arith.constant 0 : i32
    %dma_start3A_127 = arith.constant 0 : i32
    %dma_start3A_128 = tpu.memref_slice %arg7[%dma_start3A_126, %dma_start3A_127] : memref<10240x32xf32, #tpu.memory_space<vmem_shared>> -> memref<10240x32xf32, #tpu.memory_space<vmem_shared>>
    tpu.enqueue_indirect_dma source(%dma_start3A_128 : memref<10240x32xf32, #tpu.memory_space<vmem_shared>>) target(%arg11 : memref<128x32xf32, #tpu.memory_space<vmem>>) offsets(%dma_start3A_125 : memref<128xi32, #tpu.memory_space<vmem>>) semaphore(%arg16 : memref<!tpu.dma_semaphore, #tpu.memory_space<semaphore_mem>>)
    %scan3A_129 = arith.constant 0 : i32
    %scan3A_130 = arith.constant 0 : i32
    %scan3A_131 = arith.constant 78 : i32
    %scan3A_132 = arith.addi %scan3A_130, %scan3A_131 : i32
    %scan3A_133 = arith.constant 1 : i32
    scf.for %scan3A_152 = %scan3A_130 to %scan3A_132 step %scan3A_133  : i32 {
      %mul3A_153 = arith.constant 2 : i32
      %mul3A_154 = arith.muli %mul3A_153, %scan3A_152 : i32
      %add3A = arith.constant 1 : i32
      %add3A_155 = arith.addi %mul3A_154, %add3A : i32
      %dma_start3A_156 = arith.constant 0 : i32
      %dma_start3A_157 = tpu.memref_slice %arg9[%add3A_155, %dma_start3A_156] : memref<157x128xi32, #tpu.memory_space<vmem>> -> memref<1x128xi32, #tpu.memory_space<vmem>>
      %dma_start3A_158 = tpu.memref_squeeze %dma_start3A_157 : memref<1x128xi32, #tpu.memory_space<vmem>> -> memref<128xi32, #tpu.memory_space<vmem>>
      %dma_start3A_159 = arith.constant 0 : i32
      %dma_start3A_160 = arith.constant 0 : i32
      %dma_start3A_161 = tpu.memref_slice %arg7[%dma_start3A_159, %dma_start3A_160] : memref<10240x32xf32, #tpu.memory_space<vmem_shared>> -> memref<10240x32xf32, #tpu.memory_space<vmem_shared>>
      tpu.enqueue_indirect_dma source(%dma_start3A_161 : memref<10240x32xf32, #tpu.memory_space<vmem_shared>>) target(%arg12 : memref<128x32xf32, #tpu.memory_space<vmem>>) offsets(%dma_start3A_158 : memref<128xi32, #tpu.memory_space<vmem>>) semaphore(%arg17 : memref<!tpu.dma_semaphore, #tpu.memory_space<semaphore_mem>>)
      %dma_wait3A_162 = arith.constant 0 : i32
      %dma_wait3A_163 = tpu.memref_slice %arg9[%mul3A_154, %dma_wait3A_162] : memref<157x128xi32, #tpu.memory_space<vmem>> -> memref<1x128xi32, #tpu.memory_space<vmem>>
      %dma_wait3A_164 = tpu.memref_squeeze %dma_wait3A_163 : memref<1x128xi32, #tpu.memory_space<vmem>> -> memref<128xi32, #tpu.memory_space<vmem>>
      %dma_wait3A_165 = arith.constant 0 : i32
      %dma_wait3A_166 = arith.constant 0 : i32
      %dma_wait3A_167 = tpu.memref_slice %arg7[%dma_wait3A_165, %dma_wait3A_166] : memref<10240x32xf32, #tpu.memory_space<vmem_shared>> -> memref<10240x32xf32, #tpu.memory_space<vmem_shared>>
      tpu.wait_indirect_dma semaphore(%arg16 : memref<!tpu.dma_semaphore, #tpu.memory_space<semaphore_mem>>) src(%dma_wait3A_167 : memref<10240x32xf32, #tpu.memory_space<vmem_shared>>) dst(%arg11 : memref<128x32xf32, #tpu.memory_space<vmem>>)
      "tpu.region"() ({
        %run_scoped3A_182 = tpu.sem_alloc : memref<!tpu.dma_semaphore, #tpu.memory_space<semaphore_mem>>
        %dma_start3A_183 = arith.constant 0 : i32
        %dma_start3A_184 = tpu.memref_slice %arg10[%mul3A_154, %dma_start3A_183] : memref<157x128xi32, #tpu.memory_space<vmem>> -> memref<1x128xi32, #tpu.memory_space<vmem>>
        %dma_start3A_185 = tpu.memref_squeeze %dma_start3A_184 : memref<1x128xi32, #tpu.memory_space<vmem>> -> memref<128xi32, #tpu.memory_space<vmem>>
        %dma_start3A_186 = arith.constant 0 : i32
        %dma_start3A_187 = arith.constant 0 : i32
        %dma_start3A_188 = tpu.memref_slice %arg8[%dma_start3A_186, %dma_start3A_187] : memref<10240x32xf32, #tpu.memory_space<vmem_shared>> -> memref<10240x32xf32, #tpu.memory_space<vmem_shared>>
        tpu.enqueue_indirect_dma source(%arg11 : memref<128x32xf32, #tpu.memory_space<vmem>>) target(%dma_start3A_188 : memref<10240x32xf32, #tpu.memory_space<vmem_shared>>) offsets(%dma_start3A_185 : memref<128xi32, #tpu.memory_space<vmem>>) semaphore(%run_scoped3A_182 : memref<!tpu.dma_semaphore, #tpu.memory_space<semaphore_mem>>) {add = true}
        %dma_wait3A_189 = arith.constant 0 : i32
        %dma_wait3A_190 = tpu.memref_slice %arg10[%mul3A_154, %dma_wait3A_189] : memref<157x128xi32, #tpu.memory_space<vmem>> -> memref<1x128xi32, #tpu.memory_space<vmem>>
        %dma_wait3A_191 = tpu.memref_squeeze %dma_wait3A_190 : memref<1x128xi32, #tpu.memory_space<vmem>> -> memref<128xi32, #tpu.memory_space<vmem>>
        %dma_wait3A_192 = arith.constant 0 : i32
        %dma_wait3A_193 = arith.constant 0 : i32
        %dma_wait3A_194 = tpu.memref_slice %arg8[%dma_wait3A_192, %dma_wait3A_193] : memref<10240x32xf32, #tpu.memory_space<vmem_shared>> -> memref<10240x32xf32, #tpu.memory_space<vmem_shared>>
        tpu.wait_indirect_dma semaphore(%run_scoped3A_182 : memref<!tpu.dma_semaphore, #tpu.memory_space<semaphore_mem>>) src(%arg11 : memref<128x32xf32, #tpu.memory_space<vmem>>) dst(%dma_wait3A_194 : memref<10240x32xf32, #tpu.memory_space<vmem_shared>>)
        tpu.yield
      }) : () -> ()
      %add3A_168 = arith.constant 2 : i32
      %add3A_169 = arith.addi %mul3A_154, %add3A_168 : i32
      %dma_start3A_170 = arith.constant 0 : i32
      %dma_start3A_171 = tpu.memref_slice %arg9[%add3A_169, %dma_start3A_170] : memref<157x128xi32, #tpu.memory_space<vmem>> -> memref<1x128xi32, #tpu.memory_space<vmem>>
      %dma_start3A_172 = tpu.memref_squeeze %dma_start3A_171 : memref<1x128xi32, #tpu.memory_space<vmem>> -> memref<128xi32, #tpu.memory_space<vmem>>
      %dma_start3A_173 = arith.constant 0 : i32
      %dma_start3A_174 = arith.constant 0 : i32
      %dma_start3A_175 = tpu.memref_slice %arg7[%dma_start3A_173, %dma_start3A_174] : memref<10240x32xf32, #tpu.memory_space<vmem_shared>> -> memref<10240x32xf32, #tpu.memory_space<vmem_shared>>
      tpu.enqueue_indirect_dma source(%dma_start3A_175 : memref<10240x32xf32, #tpu.memory_space<vmem_shared>>) target(%arg11 : memref<128x32xf32, #tpu.memory_space<vmem>>) offsets(%dma_start3A_172 : memref<128xi32, #tpu.memory_space<vmem>>) semaphore(%arg16 : memref<!tpu.dma_semaphore, #tpu.memory_space<semaphore_mem>>)
      %dma_wait3A_176 = arith.constant 0 : i32
      %dma_wait3A_177 = tpu.memref_slice %arg9[%add3A_155, %dma_wait3A_176] : memref<157x128xi32, #tpu.memory_space<vmem>> -> memref<1x128xi32, #tpu.memory_space<vmem>>
      %dma_wait3A_178 = tpu.memref_squeeze %dma_wait3A_177 : memref<1x128xi32, #tpu.memory_space<vmem>> -> memref<128xi32, #tpu.memory_space<vmem>>
      %dma_wait3A_179 = arith.constant 0 : i32
      %dma_wait3A_180 = arith.constant 0 : i32
      %dma_wait3A_181 = tpu.memref_slice %arg7[%dma_wait3A_179, %dma_wait3A_180] : memref<10240x32xf32, #tpu.memory_space<vmem_shared>> -> memref<10240x32xf32, #tpu.memory_space<vmem_shared>>
      tpu.wait_indirect_dma semaphore(%arg17 : memref<!tpu.dma_semaphore, #tpu.memory_space<semaphore_mem>>) src(%dma_wait3A_181 : memref<10240x32xf32, #tpu.memory_space<vmem_shared>>) dst(%arg12 : memref<128x32xf32, #tpu.memory_space<vmem>>)
      "tpu.region"() ({
        %run_scoped3A_182 = tpu.sem_alloc : memref<!tpu.dma_semaphore, #tpu.memory_space<semaphore_mem>>
        %dma_start3A_183 = arith.constant 0 : i32
        %dma_start3A_184 = tpu.memref_slice %arg10[%add3A_155, %dma_start3A_183] : memref<157x128xi32, #tpu.memory_space<vmem>> -> memref<1x128xi32, #tpu.memory_space<vmem>>
        %dma_start3A_185 = tpu.memref_squeeze %dma_start3A_184 : memref<1x128xi32, #tpu.memory_space<vmem>> -> memref<128xi32, #tpu.memory_space<vmem>>
        %dma_start3A_186 = arith.constant 0 : i32
        %dma_start3A_187 = arith.constant 0 : i32
        %dma_start3A_188 = tpu.memref_slice %arg8[%dma_start3A_186, %dma_start3A_187] : memref<10240x32xf32, #tpu.memory_space<vmem_shared>> -> memref<10240x32xf32, #tpu.memory_space<vmem_shared>>
        tpu.enqueue_indirect_dma source(%arg12 : memref<128x32xf32, #tpu.memory_space<vmem>>) target(%dma_start3A_188 : memref<10240x32xf32, #tpu.memory_space<vmem_shared>>) offsets(%dma_start3A_185 : memref<128xi32, #tpu.memory_space<vmem>>) semaphore(%run_scoped3A_182 : memref<!tpu.dma_semaphore, #tpu.memory_space<semaphore_mem>>) {add = true}
        %dma_wait3A_189 = arith.constant 0 : i32
        %dma_wait3A_190 = tpu.memref_slice %arg10[%add3A_155, %dma_wait3A_189] : memref<157x128xi32, #tpu.memory_space<vmem>> -> memref<1x128xi32, #tpu.memory_space<vmem>>
        %dma_wait3A_191 = tpu.memref_squeeze %dma_wait3A_190 : memref<1x128xi32, #tpu.memory_space<vmem>> -> memref<128xi32, #tpu.memory_space<vmem>>
        %dma_wait3A_192 = arith.constant 0 : i32
        %dma_wait3A_193 = arith.constant 0 : i32
        %dma_wait3A_194 = tpu.memref_slice %arg8[%dma_wait3A_192, %dma_wait3A_193] : memref<10240x32xf32, #tpu.memory_space<vmem_shared>> -> memref<10240x32xf32, #tpu.memory_space<vmem_shared>>
        tpu.wait_indirect_dma semaphore(%run_scoped3A_182 : memref<!tpu.dma_semaphore, #tpu.memory_space<semaphore_mem>>) src(%arg12 : memref<128x32xf32, #tpu.memory_space<vmem>>) dst(%dma_wait3A_194 : memref<10240x32xf32, #tpu.memory_space<vmem_shared>>)
        tpu.yield
      }) : () -> ()
    }
    %scan3A_134 = arith.constant 78 : i32
    %dma_wait3A_135 = arith.constant 156 : i32
    %dma_wait3A_136 = arith.constant 0 : i32
    %dma_wait3A_137 = tpu.memref_slice %arg9[%dma_wait3A_135, %dma_wait3A_136] : memref<157x128xi32, #tpu.memory_space<vmem>> -> memref<1x128xi32, #tpu.memory_space<vmem>>
    %dma_wait3A_138 = tpu.memref_squeeze %dma_wait3A_137 : memref<1x128xi32, #tpu.memory_space<vmem>> -> memref<128xi32, #tpu.memory_space<vmem>>
    %dma_wait3A_139 = arith.constant 0 : i32
    %dma_wait3A_140 = arith.constant 0 : i32
    %dma_wait3A_141 = tpu.memref_slice %arg7[%dma_wait3A_139, %dma_wait3A_140] : memref<10240x32xf32, #tpu.memory_space<vmem_shared>> -> memref<10240x32xf32, #tpu.memory_space<vmem_shared>>
    tpu.wait_indirect_dma semaphore(%arg16 : memref<!tpu.dma_semaphore, #tpu.memory_space<semaphore_mem>>) src(%dma_wait3A_141 : memref<10240x32xf32, #tpu.memory_space<vmem_shared>>) dst(%arg11 : memref<128x32xf32, #tpu.memory_space<vmem>>)
    %run_scoped3A_142 = arith.constant 156 : i32
    "tpu.region"() ({
      %run_scoped3A_152 = tpu.sem_alloc : memref<!tpu.dma_semaphore, #tpu.memory_space<semaphore_mem>>
      %dma_start3A_153 = arith.constant 0 : i32
      %dma_start3A_154 = tpu.memref_slice %arg10[%run_scoped3A_142, %dma_start3A_153] : memref<157x128xi32, #tpu.memory_space<vmem>> -> memref<1x128xi32, #tpu.memory_space<vmem>>
      %dma_start3A_155 = tpu.memref_squeeze %dma_start3A_154 : memref<1x128xi32, #tpu.memory_space<vmem>> -> memref<128xi32, #tpu.memory_space<vmem>>
      %dma_start3A_156 = arith.constant 0 : i32
      %dma_start3A_157 = arith.constant 0 : i32
      %dma_start3A_158 = tpu.memref_slice %arg8[%dma_start3A_156, %dma_start3A_157] : memref<10240x32xf32, #tpu.memory_space<vmem_shared>> -> memref<10240x32xf32, #tpu.memory_space<vmem_shared>>
      tpu.enqueue_indirect_dma source(%arg11 : memref<128x32xf32, #tpu.memory_space<vmem>>) target(%dma_start3A_158 : memref<10240x32xf32, #tpu.memory_space<vmem_shared>>) offsets(%dma_start3A_155 : memref<128xi32, #tpu.memory_space<vmem>>) semaphore(%run_scoped3A_152 : memref<!tpu.dma_semaphore, #tpu.memory_space<semaphore_mem>>) {add = true}
      %dma_wait3A_159 = arith.constant 0 : i32
      %dma_wait3A_160 = tpu.memref_slice %arg10[%run_scoped3A_142, %dma_wait3A_159] : memref<157x128xi32, #tpu.memory_space<vmem>> -> memref<1x128xi32, #tpu.memory_space<vmem>>
      %dma_wait3A_161 = tpu.memref_squeeze %dma_wait3A_160 : memref<1x128xi32, #tpu.memory_space<vmem>> -> memref<128xi32, #tpu.memory_space<vmem>>
      %dma_wait3A_162 = arith.constant 0 : i32
      %dma_wait3A_163 = arith.constant 0 : i32
      %dma_wait3A_164 = tpu.memref_slice %arg8[%dma_wait3A_162, %dma_wait3A_163] : memref<10240x32xf32, #tpu.memory_space<vmem_shared>> -> memref<10240x32xf32, #tpu.memory_space<vmem_shared>>
      tpu.wait_indirect_dma semaphore(%run_scoped3A_152 : memref<!tpu.dma_semaphore, #tpu.memory_space<semaphore_mem>>) src(%arg11 : memref<128x32xf32, #tpu.memory_space<vmem>>) dst(%dma_wait3A_164 : memref<10240x32xf32, #tpu.memory_space<vmem_shared>>)
      tpu.yield
    }) : () -> ()
    %barrier3A_143 = arith.constant 0 : index
    tpu.barrier barrier_id(%barrier3A_143)
    "tpu.region"() ({
      %run_scoped3A_152 = tpu.sem_alloc : memref<!tpu.dma_semaphore, #tpu.memory_space<semaphore_mem>>
      %dma_start3A_153 = arith.constant 0 : i32
      %dma_start3A_154 = tpu.memref_slice %arg8[%mul3A_0, %dma_start3A_153] : memref<10240x32xf32, #tpu.memory_space<vmem_shared>> -> memref<640x32xf32, #tpu.memory_space<vmem_shared>>
      %dma_start3A_155 = arith.constant 0 : i32
      %dma_start3A_156 = tpu.memref_slice %arg8[%mul3A_0, %dma_start3A_155] : memref<10240x32xf32, #tpu.memory_space<vmem_shared>> -> memref<640x32xf32, #tpu.memory_space<vmem_shared>>
      tpu.enqueue_dma source(%dma_start3A_156 : memref<640x32xf32, #tpu.memory_space<vmem_shared>>) target(%arg13 : memref<640x32xf32, #tpu.memory_space<vmem>>) target_semaphore(%run_scoped3A_152 : memref<!tpu.dma_semaphore, #tpu.memory_space<semaphore_mem>>)
      %dma_wait3A_157 = arith.constant 0 : i32
      %dma_wait3A_158 = tpu.memref_slice %arg8[%mul3A_0, %dma_wait3A_157] : memref<10240x32xf32, #tpu.memory_space<vmem_shared>> -> memref<640x32xf32, #tpu.memory_space<vmem_shared>>
      %dma_wait3A_159 = arith.constant 0 : i32
      %dma_wait3A_160 = tpu.memref_slice %arg8[%mul3A_0, %dma_wait3A_159] : memref<10240x32xf32, #tpu.memory_space<vmem_shared>> -> memref<640x32xf32, #tpu.memory_space<vmem_shared>>
      tpu.wait_dma2 semaphore(%run_scoped3A_152 : memref<!tpu.dma_semaphore, #tpu.memory_space<semaphore_mem>>) src(%dma_wait3A_160 : memref<640x32xf32, #tpu.memory_space<vmem_shared>>) dst(%arg13 : memref<640x32xf32, #tpu.memory_space<vmem>>)
      tpu.yield
    }) : () -> ()
    %scan3A_144 = arith.constant 0 : i32
    %scan3A_145 = arith.constant 0 : i32
    %scan3A_146 = arith.constant 640 : i32
    %scan3A_147 = arith.addi %scan3A_145, %scan3A_146 : i32
    %scan3A_148 = arith.constant 1 : i32
    scf.for %scan3A_152 = %scan3A_145 to %scan3A_147 step %scan3A_148  : i32 {
      %broadcast_in_dim3A = vector.broadcast %scan3A_152 : i32 to vector<16xi32>
      %gather3A = tpu.vector_load_idx %arg14[%broadcast_in_dim3A] : memref<640xf32, #tpu.memory_space<vmem>>[vector<16xi32>], vector<16xf32>,
      %get3A = arith.index_cast %scan3A_152 : i32 to index
      %get3A_153 = arith.constant 0 : index
      %get3A_154 = tpu.vector_load %arg13[%get3A, %get3A_153] {strides = array<i32>} : memref<640x32xf32, #tpu.memory_space<vmem>>, vector<16xf32>,
      %mul3A_155 = arith.mulf %get3A_154, %gather3A : vector<16xf32>
      %swap3A = arith.index_cast %scan3A_152 : i32 to index
      %swap3A_156 = arith.constant 0 : index
      %swap3A_157 = tpu.vector_load %arg13[%swap3A, %swap3A_156] {strides = array<i32>} : memref<640x32xf32, #tpu.memory_space<vmem>>, vector<16xf32>,
      tpu.vector_store %arg13[%swap3A, %swap3A_156], %mul3A_155 {strides = array<i32>} : memref<640x32xf32, #tpu.memory_space<vmem>>, vector<16xf32>,
      %get3A_158 = arith.index_cast %scan3A_152 : i32 to index
      %get3A_159 = arith.constant 16 : index
      %get3A_160 = tpu.vector_load %arg13[%get3A_158, %get3A_159] {strides = array<i32>} : memref<640x32xf32, #tpu.memory_space<vmem>>, vector<16xf32>,
      %mul3A_161 = arith.mulf %get3A_160, %gather3A : vector<16xf32>
      %swap3A_162 = arith.index_cast %scan3A_152 : i32 to index
      %swap3A_163 = arith.constant 16 : index
      %swap3A_164 = tpu.vector_load %arg13[%swap3A_162, %swap3A_163] {strides = array<i32>} : memref<640x32xf32, #tpu.memory_space<vmem>>, vector<16xf32>,
      tpu.vector_store %arg13[%swap3A_162, %swap3A_163], %mul3A_161 {strides = array<i32>} : memref<640x32xf32, #tpu.memory_space<vmem>>, vector<16xf32>,
    }
    %scan3A_149 = arith.constant 640 : i32
    %mul3A_150 = arith.constant 32 : i32
    %mul3A_151 = arith.muli %arg0, %mul3A_150 : i32
    "tpu.region"() ({
      %run_scoped3A_152 = tpu.sem_alloc : memref<!tpu.dma_semaphore, #tpu.memory_space<semaphore_mem>>
      %dma_start3A_153 = tpu.memref_slice %arg6[%mul3A_0, %mul3A_151] : memref<10240x64xf32, #tpu.memory_space<hbm>> -> memref<640x32xf32, #tpu.memory_space<hbm>>
      %dma_start3A_154 = tpu.memref_slice %arg6[%mul3A_0, %mul3A_151] : memref<10240x64xf32, #tpu.memory_space<hbm>> -> memref<640x32xf32, #tpu.memory_space<hbm>>
      tpu.enqueue_dma source(%arg13 : memref<640x32xf32, #tpu.memory_space<vmem>>) target(%dma_start3A_154 : memref<640x32xf32, #tpu.memory_space<hbm>>) target_semaphore(%run_scoped3A_152 : memref<!tpu.dma_semaphore, #tpu.memory_space<semaphore_mem>>)
      %dma_wait3A_155 = tpu.memref_slice %arg6[%mul3A_0, %mul3A_151] : memref<10240x64xf32, #tpu.memory_space<hbm>> -> memref<640x32xf32, #tpu.memory_space<hbm>>
      %dma_wait3A_156 = tpu.memref_slice %arg6[%mul3A_0, %mul3A_151] : memref<10240x64xf32, #tpu.memory_space<hbm>> -> memref<640x32xf32, #tpu.memory_space<hbm>>
      tpu.wait_dma2 semaphore(%run_scoped3A_152 : memref<!tpu.dma_semaphore, #tpu.memory_space<semaphore_mem>>) src(%arg13 : memref<640x32xf32, #tpu.memory_space<vmem>>) dst(%dma_wait3A_156 : memref<640x32xf32, #tpu.memory_space<hbm>>)
      tpu.yield
    }) : () -> ()
    return
  }
}

#map = affine_map<(d0, d1) -> (0, 0)>
module attributes {stable_mosaic.version = 14 : i64} {
  func.func @_deg_body(%arg0: i32, %arg1: i32, %arg2: memref<32x10000xi32, #tpu.memory_space<hbm>>, %arg3: memref<32x10240xf32, #tpu.memory_space<hbm>>, %arg4: memref<10000xi32, #tpu.memory_space<vmem>>, %arg5: memref<10240xf32, #tpu.memory_space<vmem>>) attributes {dimension_semantics = [#tpu.dimension_semantics<core_parallel>, #tpu.dimension_semantics<subcore_parallel>], iteration_bounds = array<i64: 2, 16>, scalar_prefetch = 0 : i64, scratch_operands = 2 : i64, tpu.core_type = #tpu.core_type<sc_vector_subcore>, window_params = [{transform_indices = #map}, {transform_indices = #map}]} {
    %mul3A = arith.constant 16 : i32
    %mul3A_0 = arith.muli %arg0, %mul3A : i32
    %add3A = arith.addi %mul3A_0, %arg1 : i32
    "tpu.region"() ({
      %run_scoped3A = tpu.sem_alloc : memref<!tpu.dma_semaphore, #tpu.memory_space<semaphore_mem>>
      %dma_start3A = arith.constant 0 : i32
      %dma_start3A_13 = tpu.memref_slice %arg2[%add3A, %dma_start3A] : memref<32x10000xi32, #tpu.memory_space<hbm>> -> memref<1x10000xi32, #tpu.memory_space<hbm>>
      %dma_start3A_14 = tpu.memref_squeeze %dma_start3A_13 : memref<1x10000xi32, #tpu.memory_space<hbm>> -> memref<10000xi32, #tpu.memory_space<hbm>>
      %dma_start3A_15 = arith.constant 0 : i32
      %dma_start3A_16 = tpu.memref_slice %arg2[%add3A, %dma_start3A_15] : memref<32x10000xi32, #tpu.memory_space<hbm>> -> memref<1x10000xi32, #tpu.memory_space<hbm>>
      %dma_start3A_17 = tpu.memref_squeeze %dma_start3A_16 : memref<1x10000xi32, #tpu.memory_space<hbm>> -> memref<10000xi32, #tpu.memory_space<hbm>>
      tpu.enqueue_dma source(%dma_start3A_17 : memref<10000xi32, #tpu.memory_space<hbm>>) target(%arg4 : memref<10000xi32, #tpu.memory_space<vmem>>) target_semaphore(%run_scoped3A : memref<!tpu.dma_semaphore, #tpu.memory_space<semaphore_mem>>)
      %dma_wait3A = arith.constant 0 : i32
      %dma_wait3A_18 = tpu.memref_slice %arg2[%add3A, %dma_wait3A] : memref<32x10000xi32, #tpu.memory_space<hbm>> -> memref<1x10000xi32, #tpu.memory_space<hbm>>
      %dma_wait3A_19 = tpu.memref_squeeze %dma_wait3A_18 : memref<1x10000xi32, #tpu.memory_space<hbm>> -> memref<10000xi32, #tpu.memory_space<hbm>>
      %dma_wait3A_20 = arith.constant 0 : i32
      %dma_wait3A_21 = tpu.memref_slice %arg2[%add3A, %dma_wait3A_20] : memref<32x10000xi32, #tpu.memory_space<hbm>> -> memref<1x10000xi32, #tpu.memory_space<hbm>>
      %dma_wait3A_22 = tpu.memref_squeeze %dma_wait3A_21 : memref<1x10000xi32, #tpu.memory_space<hbm>> -> memref<10000xi32, #tpu.memory_space<hbm>>
      tpu.wait_dma2 semaphore(%run_scoped3A : memref<!tpu.dma_semaphore, #tpu.memory_space<semaphore_mem>>) src(%dma_wait3A_22 : memref<10000xi32, #tpu.memory_space<hbm>>) dst(%arg4 : memref<10000xi32, #tpu.memory_space<vmem>>)
      tpu.yield
    }) : () -> ()
    %scan3A = arith.constant 0 : i32
    %scan3A_1 = arith.constant 0 : i32
    %scan3A_2 = arith.constant 640 : i32
    %scan3A_3 = arith.addi %scan3A_1, %scan3A_2 : i32
    %scan3A_4 = arith.constant 1 : i32
    scf.for %scan3A_13 = %scan3A_1 to %scan3A_3 step %scan3A_4  : i32 {
      %broadcast_in_dim3A_14 = arith.constant 0.000000e+00 : f32
      %broadcast_in_dim3A_15 = vector.broadcast %broadcast_in_dim3A_14 : f32 to vector<16xf32>
      %mul3A_16 = arith.constant 16 : i32
      %mul3A_17 = arith.muli %scan3A_13, %mul3A_16 : i32
      %swap3A = arith.index_cast %mul3A_17 : i32 to index
      %swap3A_18 = tpu.vector_load %arg5[%swap3A] {strides = array<i32>} : memref<10240xf32, #tpu.memory_space<vmem>>, vector<16xf32>,
      tpu.vector_store %arg5[%swap3A], %broadcast_in_dim3A_15 {strides = array<i32>} : memref<10240xf32, #tpu.memory_space<vmem>>, vector<16xf32>,
    }
    %scan3A_5 = arith.constant 640 : i32
    %broadcast_in_dim3A = arith.constant 1.000000e+00 : f32
    %broadcast_in_dim3A_6 = vector.broadcast %broadcast_in_dim3A : f32 to vector<16xf32>
    %scan3A_7 = arith.constant 0 : i32
    %scan3A_8 = arith.constant 0 : i32
    %scan3A_9 = arith.constant 625 : i32
    %scan3A_10 = arith.addi %scan3A_8, %scan3A_9 : i32
    %scan3A_11 = arith.constant 1 : i32
    scf.for %scan3A_13 = %scan3A_8 to %scan3A_10 step %scan3A_11  : i32 {
      %mul3A_14 = arith.constant 16 : i32
      %mul3A_15 = arith.muli %scan3A_13, %mul3A_14 : i32
      %get3A = arith.index_cast %mul3A_15 : i32 to index
      %get3A_16 = tpu.vector_load %arg4[%get3A] {strides = array<i32>} : memref<10000xi32, #tpu.memory_space<vmem>>, vector<16xi32>,
      tpu.vector_store_idx %arg5[%get3A_16], %broadcast_in_dim3A_6 {add = true} : memref<10240xf32, #tpu.memory_space<vmem>>[vector<16xi32>], vector<16xf32>,
    }
    %scan3A_12 = arith.constant 625 : i32
    "tpu.region"() ({
      %run_scoped3A = tpu.sem_alloc : memref<!tpu.dma_semaphore, #tpu.memory_space<semaphore_mem>>
      %dma_start3A = arith.constant 0 : i32
      %dma_start3A_13 = tpu.memref_slice %arg3[%add3A, %dma_start3A] : memref<32x10240xf32, #tpu.memory_space<hbm>> -> memref<1x10240xf32, #tpu.memory_space<hbm>>
      %dma_start3A_14 = tpu.memref_squeeze %dma_start3A_13 : memref<1x10240xf32, #tpu.memory_space<hbm>> -> memref<10240xf32, #tpu.memory_space<hbm>>
      %dma_start3A_15 = arith.constant 0 : i32
      %dma_start3A_16 = tpu.memref_slice %arg3[%add3A, %dma_start3A_15] : memref<32x10240xf32, #tpu.memory_space<hbm>> -> memref<1x10240xf32, #tpu.memory_space<hbm>>
      %dma_start3A_17 = tpu.memref_squeeze %dma_start3A_16 : memref<1x10240xf32, #tpu.memory_space<hbm>> -> memref<10240xf32, #tpu.memory_space<hbm>>
      tpu.enqueue_dma source(%arg5 : memref<10240xf32, #tpu.memory_space<vmem>>) target(%dma_start3A_17 : memref<10240xf32, #tpu.memory_space<hbm>>) target_semaphore(%run_scoped3A : memref<!tpu.dma_semaphore, #tpu.memory_space<semaphore_mem>>)
      %dma_wait3A = arith.constant 0 : i32
      %dma_wait3A_18 = tpu.memref_slice %arg3[%add3A, %dma_wait3A] : memref<32x10240xf32, #tpu.memory_space<hbm>> -> memref<1x10240xf32, #tpu.memory_space<hbm>>
      %dma_wait3A_19 = tpu.memref_squeeze %dma_wait3A_18 : memref<1x10240xf32, #tpu.memory_space<hbm>> -> memref<10240xf32, #tpu.memory_space<hbm>>
      %dma_wait3A_20 = arith.constant 0 : i32
      %dma_wait3A_21 = tpu.memref_slice %arg3[%add3A, %dma_wait3A_20] : memref<32x10240xf32, #tpu.memory_space<hbm>> -> memref<1x10240xf32, #tpu.memory_space<hbm>>
      %dma_wait3A_22 = tpu.memref_squeeze %dma_wait3A_21 : memref<1x10240xf32, #tpu.memory_space<hbm>> -> memref<10240xf32, #tpu.memory_space<hbm>>
      tpu.wait_dma2 semaphore(%run_scoped3A : memref<!tpu.dma_semaphore, #tpu.memory_space<semaphore_mem>>) src(%arg5 : memref<10240xf32, #tpu.memory_space<vmem>>) dst(%dma_wait3A_22 : memref<10240xf32, #tpu.memory_space<hbm>>)
      tpu.yield
    }) : () -> ()
    return
  }
}

module attributes {stable_mosaic.version = 14 : i64} {
  func.func @_prep_body(%arg0: i32, %arg1: memref<256x128xf32, #tpu.memory_space<vmem>>, %arg2: memref<128x64xf32, #tpu.memory_space<vmem>>, %arg3: memref<32x256xf32, #tpu.memory_space<vmem>>, %arg4: memref<2x256x32xf32, #tpu.memory_space<vmem>>, %arg5: memref<256xf32, #tpu.memory_space<vmem>>) attributes {dimension_semantics = [#tpu.dimension_semantics<arbitrary>], iteration_bounds = array<i64: 40>, scalar_prefetch = 0 : i64, scratch_operands = 0 : i64, tpu.core_type = #tpu.core_type<tc>, window_params = [{transform_indices = @transform_0, window_bounds = array<i64: 256, 128>}, {pipeline_mode = #tpu.pipeline_mode<synchronous>, transform_indices = @transform_1, window_bounds = array<i64: 128, 64>}, {transform_indices = @transform_2, window_bounds = array<i64: 32, 256>}, {transform_indices = @transform_3, window_bounds = array<i64: 2, 256, 32>}, {transform_indices = @transform_4, window_bounds = array<i64: 256>}]} {
    %get3A = arith.constant 0 : index
    %get3A_0 = arith.constant 0 : index
    %get3A_1 = vector.load %arg1[%get3A, %get3A_0] : memref<256x128xf32, #tpu.memory_space<vmem>>, vector<256x128xf32>
    %get3A_2 = arith.constant 0 : index
    %get3A_3 = arith.constant 0 : index
    %get3A_4 = vector.load %arg2[%get3A_2, %get3A_3] : memref<128x64xf32, #tpu.memory_space<vmem>>, vector<128x64xf32>
    %dot_general3A = arith.constant dense<0.000000e+00> : vector<256x64xf32>
    %dot_general3A_5 = tpu.matmul %get3A_1, %get3A_4, %dot_general3A {dimension_numbers = #tpu.dot_dimension_numbers<[1], [0], [0], [1], [0, 0, 1, 1], [], []>, transpose_lhs_hint = false} : vector<256x128xf32>, vector<128x64xf32>, vector<256x64xf32> -> vector<256x64xf32>
    %get3A_6 = arith.constant 0 : index
    %get3A_7 = arith.constant 0 : index
    %get3A_8 = vector.load %arg3[%get3A_6, %get3A_7] : memref<32x256xf32, #tpu.memory_space<vmem>>, vector<32x256xf32>
    %reduce_sum3A = arith.constant dense<0.000000e+00> : vector<256xf32>
    %reduce_sum3A_9 = vector.multi_reduction <add>, %get3A_8, %reduce_sum3A [0] : vector<32x256xf32> to vector<256xf32>
    %gt3A = arith.constant 0.000000e+00 : f32
    %gt3A_10 = vector.broadcast %gt3A : f32 to vector<256xf32>
    %gt3A_11 = arith.cmpf ogt, %reduce_sum3A_9, %gt3A_10 : vector<256xf32>
    %rsqrt3A = math.rsqrt %reduce_sum3A_9 : vector<256xf32>
    %jit3A = arith.constant 0.000000e+00 : f32
    %broadcast_in_dim3A = vector.broadcast %jit3A : f32 to vector<256xf32>
    %select_n3A = arith.select %gt3A_11, %rsqrt3A, %broadcast_in_dim3A : vector<256xi1>, vector<256xf32>
    %broadcast_in_dim3A_12 = vector.shape_cast %select_n3A : vector<256xf32> to vector<256x1xf32>
    %mul3A = vector.broadcast %broadcast_in_dim3A_12 : vector<256x1xf32> to vector<256x64xf32>
    %mul3A_13 = arith.mulf %dot_general3A_5, %mul3A : vector<256x64xf32>
    %slice3A = vector.extract_strided_slice %mul3A_13 {offsets = [0, 0], sizes = [256, 32], strides = [1, 1]} : vector<256x64xf32> to vector<256x32xf32>
    %swap3A = arith.constant 0 : index
    %swap3A_14 = arith.constant 0 : index
    %swap3A_15 = arith.constant 0 : index
    %swap3A_16 = vector.load %arg4[%swap3A, %swap3A_14, %swap3A_15] : memref<2x256x32xf32, #tpu.memory_space<vmem>>, vector<1x256x32xf32>
    %swap3A_17 = vector.shape_cast %swap3A_16 : vector<1x256x32xf32> to vector<256x32xf32>
    %swap3A_18 = vector.shape_cast %slice3A : vector<256x32xf32> to vector<1x256x32xf32>
    tpu.vector_store %arg4[%swap3A, %swap3A_14, %swap3A_15], %swap3A_18 {strides = array<i32>} : memref<2x256x32xf32, #tpu.memory_space<vmem>>, vector<1x256x32xf32>,
    %slice3A_19 = vector.extract_strided_slice %mul3A_13 {offsets = [0, 32], sizes = [256, 32], strides = [1, 1]} : vector<256x64xf32> to vector<256x32xf32>
    %swap3A_20 = arith.constant 1 : index
    %swap3A_21 = arith.constant 0 : index
    %swap3A_22 = arith.constant 0 : index
    %swap3A_23 = vector.load %arg4[%swap3A_20, %swap3A_21, %swap3A_22] : memref<2x256x32xf32, #tpu.memory_space<vmem>>, vector<1x256x32xf32>
    %swap3A_24 = vector.shape_cast %swap3A_23 : vector<1x256x32xf32> to vector<256x32xf32>
    %swap3A_25 = vector.shape_cast %slice3A_19 : vector<256x32xf32> to vector<1x256x32xf32>
    tpu.vector_store %arg4[%swap3A_20, %swap3A_21, %swap3A_22], %swap3A_25 {strides = array<i32>} : memref<2x256x32xf32, #tpu.memory_space<vmem>>, vector<1x256x32xf32>,
    %swap3A_26 = arith.constant 0 : index
    %swap3A_27 = vector.load %arg5[%swap3A_26] : memref<256xf32, #tpu.memory_space<vmem>>, vector<256xf32>
    tpu.vector_store %arg5[%swap3A_26], %select_n3A {strides = array<i32>} : memref<256xf32, #tpu.memory_space<vmem>>, vector<256xf32>,
    return
  }
  func.func @transform_0(%arg0: i32) -> (i32, i32) {
    %c0_i32 = arith.constant 0 : i32
    %c0_i32_0 = arith.constant 0 : i32
    return %arg0, %c0_i32 : i32, i32
  }
  func.func @transform_1(%arg0: i32) -> (i32, i32) {
    %c0_i32 = arith.constant 0 : i32
    %c0_i32_0 = arith.constant 0 : i32
    %c0_i32_1 = arith.constant 0 : i32
    return %c0_i32, %c0_i32_0 : i32, i32
  }
  func.func @transform_2(%arg0: i32) -> (i32, i32) {
    %c0_i32 = arith.constant 0 : i32
    %c0_i32_0 = arith.constant 0 : i32
    return %c0_i32, %arg0 : i32, i32
  }
  func.func @transform_3(%arg0: i32) -> (i32, i32, i32) {
    %c0_i32 = arith.constant 0 : i32
    %c0_i32_0 = arith.constant 0 : i32
    %c0_i32_1 = arith.constant 0 : i32
    return %c0_i32, %arg0, %c0_i32_0 : i32, i32, i32
  }
  func.func @transform_4(%arg0: i32) -> i32 {
    %c0_i32 = arith.constant 0 : i32
    return %arg0 : i32
  }
}

</mosaic_0001>

<sc_bundles>
// kernel: kernel.5.cloned.1.call-start
scs
__scs_entry_jumppad:
0x0: {  	(pc) =	sbr.rel $0x88, $3  }
0x1: {  	(tag) =	ssettag $0x0;
	lr =	simm.s32 $0x1  }
0x2: {  	[smem:$0x3F9E] =	sst lr;
	_ =	strace $0xD0000000  }
0x3: {  	_ = 	snop  }
0x4: {  	_ = 	snop  }
0x5: {  	_ = 	snop  }
0x6: {  	_ = 	snop  }
0x7: {  	_ = 	snop  }
__scs_overlays_trampoline_lowered:
0x8: {  	[smem:$0x3FAD] =	sst s0  }
0x9: {  	[smem:$0x3FAE] =	sst s1  }
0xa: {  	[smem:$0x3FAF] =	sst s2  }
0xb: {  	[smem:$0x3FB0] =	sst s3  }
0xc: {  	[smem:$0x3FB1] =	sst s4  }
0xd: {  	[smem:$0x3FB2] =	sst s5  }
0xe: {  	[smem:$0x3FB3] =	sst s6  }
0xf: {  	[smem:$0x3FB4] =	sst s7  }
0x10: {  	[smem:$0x3FB5] =	sst s8  }
0x11: {  	[smem:$0x3FB6] =	sst s9;
	s0 =	simm.s32 @!p0 $0x0  }
0x12: {  	s1 =	sld [smem:$0x3F9C];
	s0 =	simm.s32 @p0 $0x1  }
0x13: {  	[smem:$0x3FB7] =	sst s0;
	s0 =	simm.s32 @!p1 $0x0  }
0x14: {  	s2 =	sld [smem:$0x3F9B];
	s0 =	simm.s32 @p1 $0x1  }
0x15: {  	[smem:$0x3FB8] =	sst s0;
	s0 =	simm.s32 @!p2 $0x0  }
0x16: {  	s3 =	sld [smem:$0x3FDB];
	s0 =	simm.s32 @p2 $0x1  }
0x17: {  	s4 =	simm.s32 $0x1BF5;
	[smem:$0x3FBA] =	sst s0  }
0x18: {  	s0 =	sld [smem:$0x3F9D];
	_ =	swait.ge [sflag:s4], $0x0  }
0x19: {  	s7 =	sld [smem:$0x3F9E]  }
0x1a: {  	s8 =	sadd.s32 $0xFFFFE003, lr  }
0x1b: {  	s9 =	sadd.s32 $0xFFFFFEF7, lr;
	s5 =	simm.s32 $0xFFFFFFFF;
	p2 =	slt.u32 s8, $0xFFFFF086  }
0x1c: {  	p1 =	slt.u32 s9, $0xF7A;
	s5 =	simm.s32 @!p2 $0x0  }
0x1d: {  	s5 =	simm.s32 @p1 $0x1;
	p0 =	seq.s32 s7, s2  }
0x1e: {  	s7 =	smul.u32 @!p0 $0xF7A, s2;
	p2 =	seq.s32 @!p0 s5, $0x0  }
0x1f: {  	s9 =	smul.u32 $0xF7A, s1;
	s8 =	simm.s32 @!p0 $0x1BF5;
	p2 =	por !p2, p0  }
0x20: {  	[sflag:s8] =	ssyncset.s32 @!p0 $0xFFFFF086;
	s6 =	sadd.s32 @!p0 s3, s7;
	s7 =	simm.s32 @!p0 $0x108  }
0x21: {  	s3 =	sadd.s32 s3, s9;
	s6 =	sadd.s32 @!p0 $0x88, s6;
	s7 =	simm.s32 @p2 $0x1082  }
0x22: {  	[simem:s7], [sflag:s8] =	dma.local @!p0 [hbm:s6], $0xF7A  }
0x23: {  	s9 =	sor.u32 $0xD0000000, s2;
	s6 =	simm.s32 $0x108;
	_ =	swait.ge @!p0 [sflag:s8], $0x0  }
0x24: {  	s3 =	sadd.s32 $0x88, s3;
	s6 =	simm.s32 @!p1 $0x1082;
	[sflag:s4] =	ssyncset.s32 $0xFFFFF086  }
0x25: {  	[simem:s6], [sflag:s4] =	dma.local [hbm:s3], $0xF7A  }
0x26: {  	[smem:$0x3F9E] =	sst s1;
	(tag) =	ssettag s2;
	_ =	strace s9  }
0x27: {  	s1 =	sld [smem:$0x3FAE]  }
0x28: {  	s2 =	sld [smem:$0x3FAF]  }
0x29: {  	s4 =	sld [smem:$0x3FB1]  }
0x2a: {  	p0 =	seq.s32 s5, $0x0;
	s5 =	sld [smem:$0x3FB2]  }
0x2b: {  	s6 =	sld [smem:$0x3FB3]  }
0x2c: {  	s7 =	sld [smem:$0x3FB4]  }
0x2d: {  	s3 =	simm.s32 $0x108;
	s8 =	sld [smem:$0x3FB5]  }
0x2e: {  	s3 =	simm.s32 @!p0 $0x1082;
	s9 =	sld [smem:$0x3FB6]  }
0x2f: {  	lr =	sadd.s32 s0, s3;
	s0 =	sld [smem:$0x3FAD]  }
0x30: {  	s3 =	sld [smem:$0x3FB0]  }
0x31: {  	[smem:$0x3FB9] =	sst s10  }
0x32: {  	s10 =	sld [smem:$0x3FB7];
	_ =	sdelay $0x3  }
0x33: {  	p0 =	seq.s32 s10, $0x1;
	s10 =	sld [smem:$0x3FB9];
	_ =	sdelay $0x3  }
0x34: {  	[smem:$0x3FB9] =	sst s10  }
0x35: {  	s10 =	sld [smem:$0x3FB8];
	_ =	sdelay $0x3  }
0x36: {  	p1 =	seq.s32 s10, $0x1;
	s10 =	sld [smem:$0x3FB9];
	_ =	sdelay $0x3  }
0x37: {  	[smem:$0x3FB9] =	sst s10  }
0x38: {  	s10 =	sld [smem:$0x3FBA]  }
0x39: {  	_ = 	snop;
	(pc) =	sbr.ind lr, $3  }
0x3a: {  	_ = 	snop  }
0x3b: {  	_ = 	snop  }
0x3c: {  	p2 =	seq.s32 s10, $0x1;
	s10 =	sld [smem:$0x3FB9]  }
0x3d: {  	_ =	shalt  }
0x3e: {  	_ =	shalt  }
0x3f: {  	_ =	shalt  }
0x40: {  	_ =	shalt  }
0x41: {  	_ =	shalt  }
0x42: {  	_ =	shalt  }
0x43: {  	_ =	shalt  }
0x44: {  	_ =	shalt  }
0x45: {  	_ =	shalt  }
0x46: {  	_ =	shalt  }
0x47: {  	_ =	shalt  }
0x48: {  	_ =	shalt  }
0x49: {  	_ =	shalt  }
0x4a: {  	_ =	shalt  }
0x4b: {  	_ =	shalt  }
0x4c: {  	_ =	shalt  }
0x4d: {  	_ =	shalt  }
0x4e: {  	_ =	shalt  }
0x4f: {  	_ =	shalt  }
0x50: {  	_ =	shalt  }
0x51: {  	_ =	shalt  }
0x52: {  	_ =	shalt  }
0x53: {  	_ =	shalt  }
0x54: {  	_ =	shalt  }
0x55: {  	_ =	shalt  }
0x56: {  	_ =	shalt  }
0x57: {  	_ =	shalt  }
0x58: {  	_ =	shalt  }
0x59: {  	_ =	shalt  }
0x5a: {  	_ =	shalt  }
0x5b: {  	_ =	shalt  }
0x5c: {  	_ =	shalt  }
0x5d: {  	_ =	shalt  }
0x5e: {  	_ =	shalt  }
0x5f: {  	_ =	shalt  }
0x60: {  	_ =	shalt  }
0x61: {  	_ =	shalt  }
0x62: {  	_ =	shalt  }
0x63: {  	_ =	shalt  }
0x64: {  	_ =	shalt  }
0x65: {  	_ =	shalt  }
0x66: {  	_ =	shalt  }
0x67: {  	_ =	shalt  }
0x68: {  	_ =	shalt  }
0x69: {  	_ =	shalt  }
0x6a: {  	_ =	shalt  }
0x6b: {  	_ =	shalt  }
0x6c: {  	_ =	shalt  }
0x6d: {  	_ =	shalt  }
0x6e: {  	_ =	shalt  }
0x6f: {  	_ =	shalt  }
0x70: {  	_ =	shalt  }
0x71: {  	_ =	shalt  }
0x72: {  	_ =	shalt  }
0x73: {  	_ =	shalt  }
0x74: {  	_ =	shalt  }
0x75: {  	_ =	shalt  }
0x76: {  	_ =	shalt  }
0x77: {  	_ =	shalt  }
0x78: {  	_ =	shalt  }
0x79: {  	_ =	shalt  }
0x7a: {  	_ =	shalt  }
0x7b: {  	_ =	shalt  }
0x7c: {  	_ =	shalt  }
0x7d: {  	_ =	shalt  }
0x7e: {  	_ =	shalt  }
0x7f: {  	_ =	shalt  }
0x80: {  	_ =	shalt  }
0x81: {  	_ =	shalt  }
0x82: {  	_ =	shalt  }
0x83: {  	_ =	shalt  }
0x84: {  	_ =	shalt  }
0x85: {  	_ =	shalt  }
0x86: {  	_ =	shalt  }
0x87: {  	_ =	shalt  }
.Lfunc_end0:
.L_simem_size_0:
called_computation_lowered:
.L_overlay_start_0:
0x88: {  	s2 =	sld [smem:$0x3FD9]  }
0x89: {  	s3 =	sld [smem:$0x3FFE];
	_ =	sdelay $0x1  }
0x8a: {  	s1 =	srdreg.scid  }
0x8b: {  	s0 =	sand.u32 $0x1, s1  }
0x8c: {  	s17 =	sshll.u32 s0, $0xA;
	s2 =	sadd.s32 s3, s2  }
0x8d: {  	s2 =	sadd.s32 s2, s17  }
0x8e: {  	[smem:$0x3FC5] =	sst s2  }
0x8f: {  	_ = 	snop  }
0x90: {  	s2 =	sld [smem:$0x3FD0];
	(tm) =	ssettm $0x1  }
0x91: {  	s18 =	sld [smem:$0x3FFB];
	_ =	sdelay $0x3  }
0x92: {  	_ =	strace s18  }
0x93: {  	s3 =	sld [smem:$0x3FFC];
	_ =	sdelay $0x3  }
0x94: {  	_ =	strace s3  }
0x95: {  	s3 =	sld [smem:$0x3FFD];
	_ =	sdelay $0x3  }
0x96: {  	_ =	strace s3  }
0x97: {  	_ =	strace $0x8FFFFFFF  }
0x98: {  	s19 =	sld [smem:$0x3FDB];
	_ =	sdelay $0x1  }
0x99: {  	s4 =	simm.s32 $_scs_section_size  }
0x9a: {  	s5 =	simm.s32 $_size__tile_overlayer_lowered;
	s6 =	simm.s32 $_tile_overlayer_lowered  }
0x9b: {  	s22 =	simm.s32 $0x1BFF;
	s21 =	sshll.u32 s6, $0x1;
	s3 =	sadd.s32 s4, s19  }
0x9c: {  	s7 =	simm.s32 $0x0;
	s20 =	sshll.u32 s5, $0x1;
	s5 =	sadd.s32 s21, s3  }
0x9d: {  	[timem:s7], [sflag:s22] =	dma.local [hbm:s5], s20  }
0x9e: {  	_ =	swait.ge [sflag:s22], s20  }
0x9f: {  	s4 =	ssub.s32 $0x0, s20;
	[sflag:s22] =	ssyncset.done $0x0  }
0xa0: {  	[sflag:s22] =	ssyncadd.s32 s4;
	_ =	sdelay $0x1  }
0xa1: {  	s23 =	simm.s32 $0x1B8B  }
0xa2: {  	_ =	swait.ge [sflag:s23], $0x1  }
0xa3: {  	[sflag:s23] =	ssyncset.done $0x0  }
0xa4: {  	s25 =	simm.s32 $0x1B8E;
	s24 =	sld [smem:$0x3FFE];
	[sflag:s23] =	ssyncadd.s32 $0xFFFFFFFF  }
0xa5: {  	s26 =	simm.s32 $execute0_lowered;
	[smem:$0x3FD2] =	sst s25  }
0xa6: {  	s5 =	sshll.u32 s26, $0x1;
	_ =	strace $0x80000046;
	[dreg:$0x1] =	wrdreg $0xFFFFFFFF  }
0xa7: {  	s28 =	simm.s32 $_size_execute0_lowered;
	s3 =	sadd.s32 s3, s5;
	[dreg:$0x0] =	wrdreg $0x0  }
0xa8: {  	s5 =	sshll.u32 s28, $0x1;
	[dreg:$0x2] =	wrdreg s3  }
0xa9: {  	[dreg:$0x3] =	wrdreg s5  }
0xaa: {  	[dreg:$0x4] =	wrdreg $0xC0  }
0xab: {  	_ =	task [dreg:s7], $0x5FFFF  }
0xac: {  	[dreg:$0x1] =	wrdreg $0xFFFFFFFF  }
0xad: {  	[dreg:$0x0] =	wrdreg $0x60  }
0xae: {  	[dreg:$0x2] =	wrdreg s24  }
0xaf: {  	[dreg:$0x3] =	wrdreg s2  }
0xb0: {  	[dreg:$0x4] =	wrdreg $0x9  }
0xb1: {  	_ =	task.clear_ibuf [dreg:s7], $0x5FFFF;
	_ =	strace $0x90000046  }
0xb2: {  	s29 =	simm.s32 $0x9;
	_ =	strace $0x80000048  }
0xb3: {  	_ =	swait.ge [sflag:s29], $0x1  }
0xb4: {  	[sflag:s29] =	ssyncadd.s32 $0xFFFFFFFF  }
0xb5: {  	_ =	strace $0x90000048  }
0xb6: {  	_ =	sfence  }
0xb7: {  	s30 =	sld [smem:$0x0];
	_ =	sdelay $0x2  }
0xb8: {  	s31 =	sshll.u32 s1, $0xD;
	s1 =	sshrl.u32 s1, $0x2  }
0xb9: {  	s3 =	sand.u32 $0x4000, s31;
	s1 =	sadd.s32 s1, s30  }
0xba: {  	s0 =	sor.u32 s3, s0;
	s1 =	sshll.u32 s1, $0x11  }
0xbb: {  	s0 =	sor.u32 s1, s0  }
0xbc: {  	s0 =	sadd.s32 $0x8F2B, s0  }
0xbd: {  	[sflag:s0] =	ssyncadd.remote.s32 $0x1  }
0xbe: {  	_ =	sfence.sel $0xFFFF  }
0xbf: {  	[dreg:$0x0] =	wrdreg $0xFFFFFFFF;
	(pc) =	sbr.abs _section_cstart, $3  }
0xc0: {  	[dreg:$0x1] =	wrdreg $0xFFFFFFFF  }
0xc1: {  	_ =	task.clear_ibuf [dreg:s7], $0x2FFFF;
	_ =	strace $0x9FFFFFFF  }
0xc2: {  	(tm) =	ssettm $0x7FFFFFFF  }
0xc3: {  	_ =	shalt  }
tec
execute0_lowered:
.L_overlay_start_1:
0x0: {  	(tag) =	ssettag $0x1  }
0x1: {  	s0 =	srdreg.scid  }
0x2: {  	s3 =	rddreg [dreg:$0x0];
	s4 =	sand.u32 $0x1, s0  }
0x3: {  	s5 =	rddreg [dreg:$0x1];
	s1 =	stileid.u32;
	s2 =	sshll.u32 s4, $0x4  }
0x4: {  	s0 =	rddreg [dreg:$0x2];
	s6 =	sor.u32 s1, s2  }
0x5: {  	s4 =	ssub.s32 $0x2, s4;
	s2 =	simm.s32 $0x0;
	s7 =	smul.u32 $0x4E2, s6  }
0x6: {  	s8 =	sshrl.u32 s4, $0x1;
	[smem:$0x7FF] =	sst s2;
	s6 =	smul.u32 $0x500, s6  }
0x7: {  	s31 =	ssub.s32 s4, s8;
	s8 =	simm.s32 $0x0;
	_ =	strace $0x80000047  }
0x8: {  	s3 =	sadd.s32 s7, s3;
	s4 =	sadd.s32 s5, s6;
	s5 =	smax.u32 s31, $0x1  }
0x9: {  	v0 =	vimm.f32 $0.0e+00;
	v1 =	vimm.f32 $1.000000000e+00;
	s6 =	simm.s32 $0x1;
	s7 =	simm.s32 $0x2710;
	s3 =	sadd.s32 $0x1600, s3  }
.LBB2_1:
0xa: {  	[tilespmem:s2], [sflag:$0x1] =	stream.linear.gather [hbm4b:s3+s2], $0x2710, $0x38;
	[tilespmem:$0x4F10] =	vst v63  }
0xb: {  	_ =	swait.ge [sflag:s6], $0x2710  }
0xc: {  	[sflag:s6] =	ssyncset.done $0x0  }
0xd: {  	s9 =	simm.s32 $0x0;
	[sflag:s6] =	ssyncadd.s32 $0xFFFFD8F0  }
.LBB2_2:
0xe: {  	p0 =	sne.s32 s9, $0x9FC0  }
.Ltmp0:
0xf: {  	_ = 	snop;
	(pc) =	sbr.rel @p0 .LBB2_2-.Ltmp0, $3  }
0x10: {  	_ =	sdelay $0x1  }
0x11: {  	s10 =	sshra.s32 s9, $0x2  }
0x12: {  	s9 =	sadd.s32 $0x40, s9;
	[tilespmem:s10+$0x2710] =	vst v0  }
0x13: {  	s10 =	simm.s32 $0x0;
	s9 =	simm.s32 $0x40  }
.LBB2_4:
0x14: {  	p0 =	sne.s32 s9, $0x9C00;
	v2 =	vld [tilespmem:s10+$0x0];
	_ =	sdelay $0x3  }
.Ltmp1:
0x15: {  	(pc) =	sbr.rel @p0 .LBB2_4-.Ltmp1, $2  }
0x16: {  	_ =	sdelay $0x2  }
0x17: {  	s10 =	sshra.s32 s9, $0x2;
	s9 =	sadd.s32 $0x40, s9;
	[tilespmem:v2+s7+$0x0] =	vst.idx.add.f32.msk $0xffff, v1  }
0x18: {  	v2 =	vld [tilespmem:s10+$0x0];
	_ =	sdelay $0x5  }
0x19: {  	s8 =	sadd.s32 $0x1, s8  }
0x1a: {  	p0 =	sne.s32 s8, s5  }
.Ltmp2:
0x1b: {  	[tilespmem:v2+s7+$0x0] =	vst.idx.add.f32.msk $0xffff, v1;
	(pc) =	sbr.rel @p0 .LBB2_1-.Ltmp2, $4  }
0x1c: {  	[hbm4b:s4+s2] =	stream.linear.scatter [tilespmem:s7], [sflag:$0x1], $0x2800, $0x38;
	[tilespmem:$0x4F10] =	vst v63  }
0x1d: {  	_ =	swait.ge [sflag:s6], $0x2800  }
0x1e: {  	[sflag:s6] =	ssyncset.done $0x0  }
0x1f: {  	[sflag:s6] =	ssyncadd.s32 $0xFFFFD800  }
0x20: {  	_ =	sfence.sel $0x180000  }
0x21: {  	[bflag:$0x0] =	sbarrier.arrive $0xFFFF  }
0x22: {  	p0 =	sne.s32 s1, $0x0;
	_ =	strace $0x90000047  }
0x23: {  	s0 =	sadd.s32 @!p0 $0x100000, s0;
	[bflag:$0x2] =	sbarrier.arrive $0xFFFF  }
0x24: {  	[sflag:s0] =	ssyncadd.tile.s32 @!p0 $0x1;
	_ =	shalt  }
.Lfunc_end2:
_tile_overlayer_lowered:
.L_overlay_start_2:
0x25: {  	(tag) =	ssettag $0x2  }
0x26: {  	s0 =	rddreg [dreg:$0x0];
	s2 =	stileid.u32  }
0x27: {  	s1 =	rddreg [dreg:$0x1];
	p0 =	sne.s32 s2, $0x0  }
0x28: {  	s3 =	rddreg [dreg:$0x2];
	[bflag:$0x3] =	sbarrier.arrive $0xFFFF;
	s2 =	simm.s32 @!p0 $0x1C01  }
0x29: {  	[timem:s3], [sflag:s2] =	dma.local @!p0 [hbm:s0], s1  }
0x2a: {  	s0 =	simm.s32 @!p0 $0x1  }
0x2b: {  	_ =	swait.ge @!p0 [sflag:s0], s1  }
0x2c: {  	s1 =	ssub.s32 @!p0 $0x0, s1;
	[sflag:s0] =	ssyncset.done @!p0 $0x0  }
0x2d: {  	[sflag:s0] =	ssyncadd.s32 @!p0 s1  }
0x2e: {  	[bflag:$0x3] =	sbarrier.arrive $0xFFFF  }
0x2f: {  	_ =	shalt  }

// kernel: kernel.8.cloned.1.call-start
scs
__scs_entry_jumppad:
0x0: {  	(pc) =	sbr.rel $0x88, $3  }
0x1: {  	(tag) =	ssettag $0x0;
	lr =	simm.s32 $0x1  }
0x2: {  	[smem:$0x3F9E] =	sst lr;
	_ =	strace $0xD0000000  }
0x3: {  	_ = 	snop  }
0x4: {  	_ = 	snop  }
0x5: {  	_ = 	snop  }
0x6: {  	_ = 	snop  }
0x7: {  	_ = 	snop  }
__scs_overlays_trampoline_lowered:
0x8: {  	[smem:$0x3FAD] =	sst s0  }
0x9: {  	[smem:$0x3FAE] =	sst s1  }
0xa: {  	[smem:$0x3FAF] =	sst s2  }
0xb: {  	[smem:$0x3FB0] =	sst s3  }
0xc: {  	[smem:$0x3FB1] =	sst s4  }
0xd: {  	[smem:$0x3FB2] =	sst s5  }
0xe: {  	[smem:$0x3FB3] =	sst s6  }
0xf: {  	[smem:$0x3FB4] =	sst s7  }
0x10: {  	[smem:$0x3FB5] =	sst s8  }
0x11: {  	[smem:$0x3FB6] =	sst s9;
	s0 =	simm.s32 @!p0 $0x0  }
0x12: {  	s1 =	sld [smem:$0x3F9C];
	s0 =	simm.s32 @p0 $0x1  }
0x13: {  	[smem:$0x3FB7] =	sst s0;
	s0 =	simm.s32 @!p1 $0x0  }
0x14: {  	s2 =	sld [smem:$0x3F9B];
	s0 =	simm.s32 @p1 $0x1  }
0x15: {  	[smem:$0x3FB8] =	sst s0;
	s0 =	simm.s32 @!p2 $0x0  }
0x16: {  	s3 =	sld [smem:$0x3FDB];
	s0 =	simm.s32 @p2 $0x1  }
0x17: {  	s4 =	simm.s32 $0x1BF5;
	[smem:$0x3FBA] =	sst s0  }
0x18: {  	s0 =	sld [smem:$0x3F9D];
	_ =	swait.ge [sflag:s4], $0x0  }
0x19: {  	s7 =	sld [smem:$0x3F9E]  }
0x1a: {  	s8 =	sadd.s32 $0xFFFFE003, lr  }
0x1b: {  	s9 =	sadd.s32 $0xFFFFFEF7, lr;
	s5 =	simm.s32 $0xFFFFFFFF;
	p2 =	slt.u32 s8, $0xFFFFF086  }
0x1c: {  	p1 =	slt.u32 s9, $0xF7A;
	s5 =	simm.s32 @!p2 $0x0  }
0x1d: {  	s5 =	simm.s32 @p1 $0x1;
	p0 =	seq.s32 s7, s2  }
0x1e: {  	s7 =	smul.u32 @!p0 $0xF7A, s2;
	p2 =	seq.s32 @!p0 s5, $0x0  }
0x1f: {  	s9 =	smul.u32 $0xF7A, s1;
	s8 =	simm.s32 @!p0 $0x1BF5;
	p2 =	por !p2, p0  }
0x20: {  	[sflag:s8] =	ssyncset.s32 @!p0 $0xFFFFF086;
	s6 =	sadd.s32 @!p0 s3, s7;
	s7 =	simm.s32 @!p0 $0x108  }
0x21: {  	s3 =	sadd.s32 s3, s9;
	s6 =	sadd.s32 @!p0 $0x88, s6;
	s7 =	simm.s32 @p2 $0x1082  }
0x22: {  	[simem:s7], [sflag:s8] =	dma.local @!p0 [hbm:s6], $0xF7A  }
0x23: {  	s9 =	sor.u32 $0xD0000000, s2;
	s6 =	simm.s32 $0x108;
	_ =	swait.ge @!p0 [sflag:s8], $0x0  }
0x24: {  	s3 =	sadd.s32 $0x88, s3;
	s6 =	simm.s32 @!p1 $0x1082;
	[sflag:s4] =	ssyncset.s32 $0xFFFFF086  }
0x25: {  	[simem:s6], [sflag:s4] =	dma.local [hbm:s3], $0xF7A  }
0x26: {  	[smem:$0x3F9E] =	sst s1;
	(tag) =	ssettag s2;
	_ =	strace s9  }
0x27: {  	s1 =	sld [smem:$0x3FAE]  }
0x28: {  	s2 =	sld [smem:$0x3FAF]  }
0x29: {  	s4 =	sld [smem:$0x3FB1]  }
0x2a: {  	p0 =	seq.s32 s5, $0x0;
	s5 =	sld [smem:$0x3FB2]  }
0x2b: {  	s6 =	sld [smem:$0x3FB3]  }
0x2c: {  	s7 =	sld [smem:$0x3FB4]  }
0x2d: {  	s3 =	simm.s32 $0x108;
	s8 =	sld [smem:$0x3FB5]  }
0x2e: {  	s3 =	simm.s32 @!p0 $0x1082;
	s9 =	sld [smem:$0x3FB6]  }
0x2f: {  	lr =	sadd.s32 s0, s3;
	s0 =	sld [smem:$0x3FAD]  }
0x30: {  	s3 =	sld [smem:$0x3FB0]  }
0x31: {  	[smem:$0x3FB9] =	sst s10  }
0x32: {  	s10 =	sld [smem:$0x3FB7];
	_ =	sdelay $0x3  }
0x33: {  	p0 =	seq.s32 s10, $0x1;
	s10 =	sld [smem:$0x3FB9];
	_ =	sdelay $0x3  }
0x34: {  	[smem:$0x3FB9] =	sst s10  }
0x35: {  	s10 =	sld [smem:$0x3FB8];
	_ =	sdelay $0x3  }
0x36: {  	p1 =	seq.s32 s10, $0x1;
	s10 =	sld [smem:$0x3FB9];
	_ =	sdelay $0x3  }
0x37: {  	[smem:$0x3FB9] =	sst s10  }
0x38: {  	s10 =	sld [smem:$0x3FBA]  }
0x39: {  	_ = 	snop;
	(pc) =	sbr.ind lr, $3  }
0x3a: {  	_ = 	snop  }
0x3b: {  	_ = 	snop  }
0x3c: {  	p2 =	seq.s32 s10, $0x1;
	s10 =	sld [smem:$0x3FB9]  }
0x3d: {  	_ =	shalt  }
0x3e: {  	_ =	shalt  }
0x3f: {  	_ =	shalt  }
0x40: {  	_ =	shalt  }
0x41: {  	_ =	shalt  }
0x42: {  	_ =	shalt  }
0x43: {  	_ =	shalt  }
0x44: {  	_ =	shalt  }
0x45: {  	_ =	shalt  }
0x46: {  	_ =	shalt  }
0x47: {  	_ =	shalt  }
0x48: {  	_ =	shalt  }
0x49: {  	_ =	shalt  }
0x4a: {  	_ =	shalt  }
0x4b: {  	_ =	shalt  }
0x4c: {  	_ =	shalt  }
0x4d: {  	_ =	shalt  }
0x4e: {  	_ =	shalt  }
0x4f: {  	_ =	shalt  }
0x50: {  	_ =	shalt  }
0x51: {  	_ =	shalt  }
0x52: {  	_ =	shalt  }
0x53: {  	_ =	shalt  }
0x54: {  	_ =	shalt  }
0x55: {  	_ =	shalt  }
0x56: {  	_ =	shalt  }
0x57: {  	_ =	shalt  }
0x58: {  	_ =	shalt  }
0x59: {  	_ =	shalt  }
0x5a: {  	_ =	shalt  }
0x5b: {  	_ =	shalt  }
0x5c: {  	_ =	shalt  }
0x5d: {  	_ =	shalt  }
0x5e: {  	_ =	shalt  }
0x5f: {  	_ =	shalt  }
0x60: {  	_ =	shalt  }
0x61: {  	_ =	shalt  }
0x62: {  	_ =	shalt  }
0x63: {  	_ =	shalt  }
0x64: {  	_ =	shalt  }
0x65: {  	_ =	shalt  }
0x66: {  	_ =	shalt  }
0x67: {  	_ =	shalt  }
0x68: {  	_ =	shalt  }
0x69: {  	_ =	shalt  }
0x6a: {  	_ =	shalt  }
0x6b: {  	_ =	shalt  }
0x6c: {  	_ =	shalt  }
0x6d: {  	_ =	shalt  }
0x6e: {  	_ =	shalt  }
0x6f: {  	_ =	shalt  }
0x70: {  	_ =	shalt  }
0x71: {  	_ =	shalt  }
0x72: {  	_ =	shalt  }
0x73: {  	_ =	shalt  }
0x74: {  	_ =	shalt  }
0x75: {  	_ =	shalt  }
0x76: {  	_ =	shalt  }
0x77: {  	_ =	shalt  }
0x78: {  	_ =	shalt  }
0x79: {  	_ =	shalt  }
0x7a: {  	_ =	shalt  }
0x7b: {  	_ =	shalt  }
0x7c: {  	_ =	shalt  }
0x7d: {  	_ =	shalt  }
0x7e: {  	_ =	shalt  }
0x7f: {  	_ =	shalt  }
0x80: {  	_ =	shalt  }
0x81: {  	_ =	shalt  }
0x82: {  	_ =	shalt  }
0x83: {  	_ =	shalt  }
0x84: {  	_ =	shalt  }
0x85: {  	_ =	shalt  }
0x86: {  	_ =	shalt  }
0x87: {  	_ =	shalt  }
.Lfunc_end0:
.L_simem_size_0:
called_computation.1_lowered:
.L_overlay_start_0:
0x88: {  	s2 =	sld [smem:$0x3FD9]  }
0x89: {  	s3 =	sld [smem:$0x3FFE];
	_ =	sdelay $0x1  }
0x8a: {  	s1 =	srdreg.scid  }
0x8b: {  	s0 =	sand.u32 $0x1, s1  }
0x8c: {  	s17 =	sshll.u32 s0, $0xA;
	s2 =	sadd.s32 s3, s2  }
0x8d: {  	s2 =	sadd.s32 s2, s17  }
0x8e: {  	[smem:$0x3FC5] =	sst s2  }
0x8f: {  	_ = 	snop  }
0x90: {  	s2 =	sld [smem:$0x3FD0];
	(tm) =	ssettm $0x1  }
0x91: {  	s18 =	sld [smem:$0x3FFB];
	_ =	sdelay $0x3  }
0x92: {  	_ =	strace s18  }
0x93: {  	s3 =	sld [smem:$0x3FFC];
	_ =	sdelay $0x3  }
0x94: {  	_ =	strace s3  }
0x95: {  	s3 =	sld [smem:$0x3FFD];
	_ =	sdelay $0x3  }
0x96: {  	_ =	strace s3  }
0x97: {  	_ =	strace $0x8FFFFFFF  }
0x98: {  	s19 =	sld [smem:$0x3FDB];
	_ =	sdelay $0x1  }
0x99: {  	s4 =	simm.s32 $_scs_section_size  }
0x9a: {  	s5 =	simm.s32 $_size__tile_overlayer_lowered;
	s6 =	simm.s32 $_tile_overlayer_lowered  }
0x9b: {  	s22 =	simm.s32 $0x1BFF;
	s21 =	sshll.u32 s6, $0x1;
	s3 =	sadd.s32 s4, s19  }
0x9c: {  	s7 =	simm.s32 $0x0;
	s20 =	sshll.u32 s5, $0x1;
	s5 =	sadd.s32 s21, s3  }
0x9d: {  	[timem:s7], [sflag:s22] =	dma.local [hbm:s5], s20  }
0x9e: {  	_ =	swait.ge [sflag:s22], s20  }
0x9f: {  	s4 =	ssub.s32 $0x0, s20;
	[sflag:s22] =	ssyncset.done $0x0  }
0xa0: {  	[sflag:s22] =	ssyncadd.s32 s4;
	_ =	sdelay $0x1  }
0xa1: {  	s23 =	simm.s32 $0x1B8B  }
0xa2: {  	_ =	swait.ge [sflag:s23], $0x1  }
0xa3: {  	[sflag:s23] =	ssyncset.done $0x0  }
0xa4: {  	s25 =	simm.s32 $0x1B8E;
	s24 =	sld [smem:$0x3FFE];
	[sflag:s23] =	ssyncadd.s32 $0xFFFFFFFF  }
0xa5: {  	s26 =	simm.s32 $execute0_lowered;
	[smem:$0x3FD2] =	sst s25  }
0xa6: {  	s5 =	sshll.u32 s26, $0x1;
	_ =	strace $0x80000049;
	[dreg:$0x1] =	wrdreg $0xFFFFFFFF  }
0xa7: {  	s28 =	simm.s32 $_size_execute0_lowered;
	s3 =	sadd.s32 s3, s5;
	[dreg:$0x0] =	wrdreg $0x0  }
0xa8: {  	s5 =	sshll.u32 s28, $0x1;
	[dreg:$0x2] =	wrdreg s3  }
0xa9: {  	[dreg:$0x3] =	wrdreg s5  }
0xaa: {  	[dreg:$0x4] =	wrdreg $0xC0  }
0xab: {  	_ =	task [dreg:s7], $0x5FFFF  }
0xac: {  	[dreg:$0x1] =	wrdreg $0xFFFFFFFF  }
0xad: {  	[dreg:$0x0] =	wrdreg $0x60  }
0xae: {  	[dreg:$0x2] =	wrdreg s24  }
0xaf: {  	[dreg:$0x3] =	wrdreg s2  }
0xb0: {  	[dreg:$0x4] =	wrdreg $0x0  }
0xb1: {  	[dreg:$0x5] =	wrdreg $0x50000  }
0xb2: {  	[dreg:$0x6] =	wrdreg $0x9  }
0xb3: {  	_ =	task.clear_ibuf [dreg:s7], $0x7FFFF;
	_ =	strace $0x90000049  }
0xb4: {  	s29 =	simm.s32 $0x9;
	_ =	strace $0x8000004B  }
0xb5: {  	_ =	swait.ge [sflag:s29], $0x1  }
0xb6: {  	[sflag:s29] =	ssyncadd.s32 $0xFFFFFFFF  }
0xb7: {  	_ =	strace $0x9000004B  }
0xb8: {  	_ =	sfence  }
0xb9: {  	s30 =	sld [smem:$0x0];
	_ =	sdelay $0x2  }
0xba: {  	s31 =	sshll.u32 s1, $0xD;
	s1 =	sshrl.u32 s1, $0x2  }
0xbb: {  	s3 =	sand.u32 $0x4000, s31;
	s1 =	sadd.s32 s1, s30  }
0xbc: {  	s0 =	sor.u32 s3, s0;
	s1 =	sshll.u32 s1, $0x11  }
0xbd: {  	s0 =	sor.u32 s1, s0  }
0xbe: {  	s0 =	sadd.s32 $0x8F2B, s0  }
0xbf: {  	[sflag:s0] =	ssyncadd.remote.s32 $0x1  }
0xc0: {  	_ =	sfence.sel $0xFFFF  }
0xc1: {  	[dreg:$0x0] =	wrdreg $0xFFFFFFFF;
	(pc) =	sbr.abs _section_cstart, $3  }
0xc2: {  	[dreg:$0x1] =	wrdreg $0xFFFFFFFF  }
0xc3: {  	_ =	task.clear_ibuf [dreg:s7], $0x2FFFF;
	_ =	strace $0x9FFFFFFF  }
0xc4: {  	(tm) =	ssettm $0x7FFFFFFF  }
0xc5: {  	_ =	shalt  }
tec
execute0_lowered:
.L_overlay_start_1:
0x0: {  	(tag) =	ssettag $0x1  }
0x1: {  	s0 =	rddreg [dreg:$0x0]  }
0x2: {  	s1 =	rddreg [dreg:$0x1];
	s3 =	srdreg.scid  }
0x3: {  	s12 =	stileid.u32;
	s2 =	rddreg [dreg:$0x2]  }
0x4: {  	s4 =	simm.s32 $0x0;
	s14 =	simm.s32 $0xA000;
	s17 =	simm.s32 $0x3  }
0x5: {  	s18 =	simm.s32 $0x1AD00;
	s19 =	simm.s32 $0x1AF80;
	s20 =	simm.s32 $0x1  }
0x6: {  	s21 =	simm.s32 $0x2;
	s22 =	simm.s32 $0x80;
	s11 =	smul.u32 $0x5000, s12  }
0x7: {  	s23 =	simm.s32 $0x13D00;
	s24 =	simm.s32 $0x14D00;
	s7 =	smul.u32 $0xA000, s12  }
0x8: {  	s29 =	simm.s32 $0x40;
	s30 =	simm.s32 $0x0;
	s9 =	smul.u32 $0x9D0, s12  }
0x9: {  	s5 =	sand.u32 $0x1, s3;
	s3 =	rddreg [dreg:$0x3];
	s10 =	smul.u32 $0x50, s12  }
0xa: {  	[smem:$0x7FF] =	sst s4;
	s31 =	sshll.u32 s12, $0x6;
	s6 =	smul.u32 $0x50000, s5  }
0xb: {  	_ =	strace $0x8000004A;
	s8 =	sshll.u32 s5, $0x5;
	s5 =	ssub.s32 $0x2, s5  }
0xc: {  	s7 =	sor.u32 s8, s7;
	s28 =	sshrl.u32 s5, $0x1;
	s9 =	sadd.s32 s9, s0  }
0xd: {  	s10 =	sadd.s32 s1, s10;
	s6 =	sadd.s32 s11, s6;
	s26 =	sshrl.u32 s7, $0x3  }
0xe: {  	s13 =	ssub.s32 s5, s28;
	s5 =	sadd.s32 $0x15200, s9;
	s7 =	sadd.s32 s11, s2  }
0xf: {  	s11 =	sadd.s32 s11, s3;
	s6 =	sshrl.u32 s6, $0x3;
	s13 =	smax.u32 s13, $0x1  }
0x10: {  	s16 =	sshrl.u32 s7, $0x3;
	s25 =	sadd.s32 s6, s0;
	s0 =	sadd.s32 s26, s0  }
0x11: {  	s6 =	sadd.s32 $0xB400, s9;
	s9 =	sor.u32 $0x1C03, s31;
	s26 =	simm.s32 $0x15D00  }
0x12: {  	v0 =	vimm.f32 $0.0e+00;
	s8 =	sadd.s32 $0x1F000, s25;
	s12 =	sadd.s32 $0x33000, s0;
	s25 =	simm.s32 $0x13C80  }
.LBB2_1:
0x13: {  	[tilespmem:s14], [sflag:$0x1] =	stream.linear.gather [hbm4b:s5+s4], $0x4E80, $0x38;
	[tilespmem:$0x1FF80] =	vst v63  }
0x14: {  	s0 =	simm.s32 $0xEE80  }
0x15: {  	[tilespmem:s0], [sflag:$0x2] =	stream.linear.gather [hbm4b:s6+s4], $0x4E80, $0x38;
	[tilespmem:$0x1FF80] =	vst v63  }
0x16: {  	[spmem:s16], [sflag:s9] =	dma.local [hbm:s8], $0xA00  }
0x17: {  	_ =	swait.ge [sflag:s17], $0xA00  }
0x18: {  	[sflag:s17] =	ssyncset.done $0x0  }
0x19: {  	[sflag:s17] =	ssyncadd.s32 $0xFFFFF600  }
0x1a: {  	[tilespmem:s18], [sflag:$0x3] =	stream.linear.gather [hbm4b:s10+s4], $0x280, $0x38;
	[tilespmem:$0x1FF80] =	vst v63  }
0x1b: {  	_ =	swait.ge [sflag:s17], $0x280  }
0x1c: {  	[sflag:s17] =	ssyncset.done $0x0  }
0x1d: {  	s1 =	simm.s32 $0x0;
	s0 =	simm.s32 $0x80;
	[sflag:s17] =	ssyncadd.s32 $0xFFFFFD80  }
.LBB2_2:
0x1e: {  	p0 =	sne.s32 s0, $0x13F80;
	[tilespmem:s1+$0x1AF80] =	vst v0;
	s31 =	smov.u32 s0;
	s0 =	sadd.s32 $0x80, s0  }
.Ltmp0:
0x1f: {  	[tilespmem:s1+$0x1AF90] =	vst v0;
	(pc) =	sbr.rel @p0 .LBB2_2-.Ltmp0, $2  }
0x20: {  	_ =	sdelay $0x2  }
0x21: {  	s1 =	sshra.s32 s31, $0x2  }
0x22: {  	[tilespmem:s1+$0x1AF80] =	vst v0  }
0x23: {  	[tilespmem:s1+$0x1AF90] =	vst v0  }
0x24: {  	[spmem:s11] =	stream.linear.scatter [tilespmem:s19], [sflag:$0x3], $0x5000, $0x38;
	[tilespmem:$0x1FF80] =	vst v63  }
0x25: {  	_ =	swait.ge [sflag:s17], $0x5000  }
0x26: {  	[sflag:s17] =	ssyncset.done $0x0  }
0x27: {  	[sflag:s17] =	ssyncadd.s32 $0xFFFFB000  }
0x28: {  	_ =	swait.ge [sflag:s20], $0x4E80  }
0x29: {  	[sflag:s20] =	ssyncset.done $0x0  }
0x2a: {  	[sflag:s20] =	ssyncadd.s32 $0xFFFFB180  }
0x2b: {  	_ =	swait.ge [sflag:s21], $0x4E80  }
0x2c: {  	[sflag:s21] =	ssyncset.done $0x0  }
0x2d: {  	[sflag:s21] =	ssyncadd.s32 $0xFFFFB180  }
0x2e: {  	[bflag:$0x0] =	sbarrier.arrive $0xFFFF  }
0x2f: {  	[tilespmem:s23], [sflag:$0x1] =	stream.indirect.gather [spmem:s2], $0x20, s14, s22, $0xb8;
	[tilespmem:$0x1FF80] =	vst v63  }
0x30: {  	s0 =	simm.s32 $0xA080  }
0x31: {  	[tilespmem:s24], [sflag:$0x2] =	stream.indirect.gather [spmem:s2], $0x20, s0, s22, $0xb8;
	[tilespmem:$0x1FF80] =	vst v63  }
0x32: {  	_ =	swait.ge [sflag:s20], $0x1000  }
0x33: {  	[sflag:s20] =	ssyncset.done $0x0  }
0x34: {  	s1 =	simm.s32 $0xEE80;
	[sflag:s20] =	ssyncadd.s32 $0xFFFFF000  }
0x35: {  	[spmem:s3] =	stream.indirect.scatter.add.f32 [tilespmem:s23], [sflag:$0x3], $0x20, s1, s22, $0xb8;
	[tilespmem:$0x1FF80] =	vst v63  }
0x36: {  	_ =	swait.ge [sflag:s17], $0x1000  }
0x37: {  	[sflag:s17] =	ssyncset.done $0x0  }
0x38: {  	s15 =	simm.s32 $0xA100;
	[sflag:s17] =	ssyncadd.s32 $0xFFFFF000  }
0x39: {  	[tilespmem:s23], [sflag:$0x1] =	stream.indirect.gather [spmem:s2], $0x20, s15, s22, $0xb8;
	[tilespmem:$0x1FF80] =	vst v63  }
0x3a: {  	_ =	swait.ge [sflag:s21], $0x1000  }
0x3b: {  	[sflag:s21] =	ssyncset.done $0x0  }
0x3c: {  	s28 =	simm.s32 $0xEF00;
	[sflag:s21] =	ssyncadd.s32 $0xFFFFF000  }
0x3d: {  	[spmem:s3] =	stream.indirect.scatter.add.f32 [tilespmem:s24], [sflag:$0x3], $0x20, s28, s22, $0xb8;
	[tilespmem:$0x1FF80] =	vst v63  }
0x3e: {  	_ =	swait.ge [sflag:s17], $0x1000  }
0x3f: {  	s31 =	simm.s32 $0x100;
	s0 =	simm.s32 $0x800;
	[sflag:s17] =	ssyncset.done $0x0  }
.LBB2_4:
0x40: {  	s1 =	sadd.s32 $0xA080, s31  }
0x41: {  	[sflag:s17] =	ssyncadd.s32 $0xFFFFF000;
	s15 =	smov.u32 s0;
	s28 =	sadd.s32 $0x400, s0  }
0x42: {  	[tilespmem:s24], [sflag:$0x2] =	stream.indirect.gather [spmem:s2], $0x20, s1, s22, $0xb8;
	[tilespmem:$0x1FF80] =	vst v63  }
0x43: {  	p0 =	sne.s32 s0, $0x13400;
	_ =	swait.ge [sflag:s20], $0x1000  }
0x44: {  	[sflag:s20] =	ssyncset.done $0x0  }
0x45: {  	s0 =	sadd.s32 $0xEE80, s31;
	[sflag:s20] =	ssyncadd.s32 $0xFFFFF000  }
0x46: {  	[spmem:s3] =	stream.indirect.scatter.add.f32 [tilespmem:s23], [sflag:$0x3], $0x20, s0, s22, $0xb8;
	[tilespmem:$0x1FF80] =	vst v63  }
0x47: {  	_ =	swait.ge [sflag:s17], $0x1000  }
0x48: {  	[sflag:s17] =	ssyncset.done $0x0  }
0x49: {  	s0 =	sadd.s32 $0xA100, s31;
	[sflag:s17] =	ssyncadd.s32 $0xFFFFF000  }
0x4a: {  	[tilespmem:s23], [sflag:$0x1] =	stream.indirect.gather [spmem:s2], $0x20, s0, s22, $0xb8;
	[tilespmem:$0x1FF80] =	vst v63  }
0x4b: {  	_ =	swait.ge [sflag:s21], $0x1000  }
.Ltmp1:
0x4c: {  	[sflag:s21] =	ssyncset.done $0x0;
	(pc) =	sbr.rel @p0 .LBB2_4-.Ltmp1, $4  }
0x4d: {  	s0 =	sadd.s32 $0xEF00, s31;
	[sflag:s21] =	ssyncadd.s32 $0xFFFFF000  }
0x4e: {  	[spmem:s3] =	stream.indirect.scatter.add.f32 [tilespmem:s24], [sflag:$0x3], $0x20, s0, s22, $0xb8;
	[tilespmem:$0x1FF80] =	vst v63  }
0x4f: {  	_ =	swait.ge [sflag:s17], $0x1000  }
0x50: {  	s31 =	sshra.s32 s15, $0x2;
	s0 =	smov.u32 s28;
	[sflag:s17] =	ssyncset.done $0x0  }
0x51: {  	s0 =	sadd.s32 $0xA080, s31;
	[sflag:s17] =	ssyncadd.s32 $0xFFFFF000  }
0x52: {  	[tilespmem:s24], [sflag:$0x2] =	stream.indirect.gather [spmem:s2], $0x20, s0, s22, $0xb8;
	[tilespmem:$0x1FF80] =	vst v63  }
0x53: {  	_ =	swait.ge [sflag:s20], $0x1000  }
0x54: {  	[sflag:s20] =	ssyncset.done $0x0  }
0x55: {  	s15 =	sadd.s32 $0xEE80, s31;
	[sflag:s20] =	ssyncadd.s32 $0xFFFFF000  }
0x56: {  	[spmem:s3] =	stream.indirect.scatter.add.f32 [tilespmem:s23], [sflag:$0x3], $0x20, s15, s22, $0xb8;
	[tilespmem:$0x1FF80] =	vst v63  }
0x57: {  	_ =	swait.ge [sflag:s17], $0x1000  }
0x58: {  	[sflag:s17] =	ssyncset.done $0x0  }
0x59: {  	s28 =	sadd.s32 $0xA100, s31;
	[sflag:s17] =	ssyncadd.s32 $0xFFFFF000  }
0x5a: {  	[tilespmem:s23], [sflag:$0x1] =	stream.indirect.gather [spmem:s2], $0x20, s28, s22, $0xb8;
	[tilespmem:$0x1FF80] =	vst v63  }
0x5b: {  	_ =	swait.ge [sflag:s21], $0x1000  }
0x5c: {  	[sflag:s21] =	ssyncset.done $0x0  }
0x5d: {  	s1 =	sadd.s32 $0xEF00, s31;
	[sflag:s21] =	ssyncadd.s32 $0xFFFFF000  }
0x5e: {  	[spmem:s3] =	stream.indirect.scatter.add.f32 [tilespmem:s24], [sflag:$0x3], $0x20, s1, s22, $0xb8;
	[tilespmem:$0x1FF80] =	vst v63  }
0x5f: {  	_ =	swait.ge [sflag:s17], $0x1000  }
0x60: {  	[sflag:s17] =	ssyncset.done $0x0  }
0x61: {  	[sflag:s17] =	ssyncadd.s32 $0xFFFFF000  }
0x62: {  	_ =	swait.ge [sflag:s20], $0x1000  }
0x63: {  	[sflag:s20] =	ssyncset.done $0x0  }
0x64: {  	[sflag:s20] =	ssyncadd.s32 $0xFFFFF000  }
0x65: {  	[spmem:s3] =	stream.indirect.scatter.add.f32 [tilespmem:s23], [sflag:$0x3], $0x20, s25, s22, $0xb8;
	[tilespmem:$0x1FF80] =	vst v63  }
0x66: {  	_ =	swait.ge [sflag:s17], $0x1000  }
0x67: {  	[sflag:s17] =	ssyncset.done $0x0  }
0x68: {  	s15 =	simm.s32 $0x0;
	[sflag:s17] =	ssyncadd.s32 $0xFFFFF000  }
0x69: {  	v1 =	vmov s15;
	[bflag:$0x0] =	sbarrier.arrive $0xFFFF  }
0x6a: {  	[tilespmem:s26], [sflag:$0x3] =	stream.linear.gather [spmem:s11], $0x5000, $0x38;
	[tilespmem:$0x1FF80] =	vst v63  }
0x6b: {  	_ =	swait.ge [sflag:s17], $0x5000  }
0x6c: {  	[sflag:s17] =	ssyncset.done $0x0  }
0x6d: {  	[sflag:s17] =	ssyncadd.s32 $0xFFFFB000  }
0x6e: {  	s31 =	simm.s32 $0x15D10;
	v1 =	vld.idx.msk [tilespmem:v1+s18+$0x0], $0xffff  }
0x6f: {  	v2 =	vld [tilespmem:s31+$0xFFFFFFF0]  }
0x70: {  	v3 =	vld [tilespmem:s31+$0x0];
	_ =	sdelay $0x2  }
0x71: {  	s28 =	simm.s32 $0x1;
	v4 =	vmul.f32 v1, v1  }
0x72: {  	s1 =	simm.s32 $0x2;
	v1 =	vmov s28  }
.LBB2_6:
0x73: {  	p0 =	sne.s32 s1, $0x27F;
	v2 =	vmul.f32 v4, v2;
	v3 =	vmul.f32 v3, v4;
	_ =	sdelay $0x1  }
0x74: {  	[tilespmem:s31+$0xFFFFFFF0] =	vst v2  }
0x75: {  	[tilespmem:s31+$0x0] =	vst v3  }
0x76: {  	v1 =	vld.idx.msk [tilespmem:v1+s18+$0x0], $0xffff  }
0x77: {  	s31 =	sadd.s32 $0x20, s31  }
0x78: {  	v2 =	vld [tilespmem:s31+$0xFFFFFFF0]  }
.Ltmp2:
0x79: {  	v3 =	vld [tilespmem:s31+$0x0];
	(pc) =	sbr.rel @p0 .LBB2_6-.Ltmp2, $3  }
0x7a: {  	_ =	sdelay $0x1  }
0x7b: {  	v4 =	vmul.f32 v1, v1  }
0x7c: {  	v1 =	vmov s1;
	s1 =	sadd.s32 $0x1, s1  }
0x7d: {  	v2 =	vmul.f32 v4, v2  }
0x7e: {  	v3 =	vmul.f32 v3, v4  }
0x7f: {  	[tilespmem:s31+$0xFFFFFFF0] =	vst v2  }
0x80: {  	[tilespmem:s31+$0x0] =	vst v3  }
0x81: {  	v1 =	vld.idx.msk [tilespmem:v1+s18+$0x0], $0xffff  }
0x82: {  	s0 =	sadd.s32 $0x20, s31  }
0x83: {  	v2 =	vld [tilespmem:s0+$0xFFFFFFF0]  }
0x84: {  	v3 =	vld [tilespmem:s0+$0x0];
	_ =	sdelay $0x1  }
0x85: {  	v1 =	vmul.f32 v1, v1;
	_ =	sdelay $0x1  }
0x86: {  	v2 =	vmul.f32 v1, v2  }
0x87: {  	v1 =	vmul.f32 v3, v1  }
0x88: {  	[tilespmem:s0+$0xFFFFFFF0] =	vst v2  }
0x89: {  	[tilespmem:s0+$0x0] =	vst v1  }
0x8a: {  	[spmem:s7] =	stream.linear.scatter [tilespmem:s26], [sflag:$0x3], $0x5000, $0x38;
	[tilespmem:$0x1FF80] =	vst v63  }
0x8b: {  	_ =	swait.ge [sflag:s17], $0x5000  }
0x8c: {  	[sflag:s17] =	ssyncset.done $0x0  }
0x8d: {  	[sflag:s17] =	ssyncadd.s32 $0xFFFFB000  }
0x8e: {  	[spmem:s11] =	stream.linear.scatter [tilespmem:s19], [sflag:$0x3], $0x5000, $0x38;
	[tilespmem:$0x1FF80] =	vst v63  }
0x8f: {  	_ =	swait.ge [sflag:s17], $0x5000  }
0x90: {  	[sflag:s17] =	ssyncset.done $0x0  }
0x91: {  	[sflag:s17] =	ssyncadd.s32 $0xFFFFB000  }
0x92: {  	[bflag:$0x0] =	sbarrier.arrive $0xFFFF  }
0x93: {  	[tilespmem:s23], [sflag:$0x1] =	stream.indirect.gather [spmem:s2], $0x20, s14, s22, $0xb8;
	[tilespmem:$0x1FF80] =	vst v63  }
0x94: {  	s28 =	simm.s32 $0xA080  }
0x95: {  	[tilespmem:s24], [sflag:$0x2] =	stream.indirect.gather [spmem:s2], $0x20, s28, s22, $0xb8;
	[tilespmem:$0x1FF80] =	vst v63  }
0x96: {  	_ =	swait.ge [sflag:s20], $0x1000  }
0x97: {  	[sflag:s20] =	ssyncset.done $0x0  }
0x98: {  	s1 =	simm.s32 $0xEE80;
	[sflag:s20] =	ssyncadd.s32 $0xFFFFF000  }
0x99: {  	[spmem:s3] =	stream.indirect.scatter.add.f32 [tilespmem:s23], [sflag:$0x3], $0x20, s1, s22, $0xb8;
	[tilespmem:$0x1FF80] =	vst v63  }
0x9a: {  	_ =	swait.ge [sflag:s17], $0x1000  }
0x9b: {  	[sflag:s17] =	ssyncset.done $0x0  }
0x9c: {  	s15 =	simm.s32 $0xA100;
	[sflag:s17] =	ssyncadd.s32 $0xFFFFF000  }
0x9d: {  	[tilespmem:s23], [sflag:$0x1] =	stream.indirect.gather [spmem:s2], $0x20, s15, s22, $0xb8;
	[tilespmem:$0x1FF80] =	vst v63  }
0x9e: {  	_ =	swait.ge [sflag:s21], $0x1000  }
0x9f: {  	[sflag:s21] =	ssyncset.done $0x0  }
0xa0: {  	s28 =	simm.s32 $0xEF00;
	[sflag:s21] =	ssyncadd.s32 $0xFFFFF000  }
0xa1: {  	[spmem:s3] =	stream.indirect.scatter.add.f32 [tilespmem:s24], [sflag:$0x3], $0x20, s28, s22, $0xb8;
	[tilespmem:$0x1FF80] =	vst v63  }
0xa2: {  	_ =	swait.ge [sflag:s17], $0x1000  }
0xa3: {  	s31 =	simm.s32 $0x100;
	s0 =	simm.s32 $0x800;
	[sflag:s17] =	ssyncset.done $0x0  }
.LBB2_8:
0xa4: {  	s1 =	sadd.s32 $0xA080, s31  }
0xa5: {  	[sflag:s17] =	ssyncadd.s32 $0xFFFFF000;
	s15 =	smov.u32 s0;
	s28 =	sadd.s32 $0x400, s0  }
0xa6: {  	[tilespmem:s24], [sflag:$0x2] =	stream.indirect.gather [spmem:s2], $0x20, s1, s22, $0xb8;
	[tilespmem:$0x1FF80] =	vst v63  }
0xa7: {  	p0 =	sne.s32 s0, $0x13400;
	_ =	swait.ge [sflag:s20], $0x1000  }
0xa8: {  	[sflag:s20] =	ssyncset.done $0x0  }
0xa9: {  	s0 =	sadd.s32 $0xEE80, s31;
	[sflag:s20] =	ssyncadd.s32 $0xFFFFF000  }
0xaa: {  	[spmem:s3] =	stream.indirect.scatter.add.f32 [tilespmem:s23], [sflag:$0x3], $0x20, s0, s22, $0xb8;
	[tilespmem:$0x1FF80] =	vst v63  }
0xab: {  	_ =	swait.ge [sflag:s17], $0x1000  }
0xac: {  	[sflag:s17] =	ssyncset.done $0x0  }
0xad: {  	s0 =	sadd.s32 $0xA100, s31;
	[sflag:s17] =	ssyncadd.s32 $0xFFFFF000  }
0xae: {  	[tilespmem:s23], [sflag:$0x1] =	stream.indirect.gather [spmem:s2], $0x20, s0, s22, $0xb8;
	[tilespmem:$0x1FF80] =	vst v63  }
0xaf: {  	_ =	swait.ge [sflag:s21], $0x1000  }
.Ltmp3:
0xb0: {  	[sflag:s21] =	ssyncset.done $0x0;
	(pc) =	sbr.rel @p0 .LBB2_8-.Ltmp3, $4  }
0xb1: {  	s0 =	sadd.s32 $0xEF00, s31;
	[sflag:s21] =	ssyncadd.s32 $0xFFFFF000  }
0xb2: {  	[spmem:s3] =	stream.indirect.scatter.add.f32 [tilespmem:s24], [sflag:$0x3], $0x20, s0, s22, $0xb8;
	[tilespmem:$0x1FF80] =	vst v63  }
0xb3: {  	_ =	swait.ge [sflag:s17], $0x1000  }
0xb4: {  	s31 =	sshra.s32 s15, $0x2;
	s0 =	smov.u32 s28;
	[sflag:s17] =	ssyncset.done $0x0  }
0xb5: {  	s0 =	sadd.s32 $0xA080, s31;
	[sflag:s17] =	ssyncadd.s32 $0xFFFFF000  }
0xb6: {  	[tilespmem:s24], [sflag:$0x2] =	stream.indirect.gather [spmem:s2], $0x20, s0, s22, $0xb8;
	[tilespmem:$0x1FF80] =	vst v63  }
0xb7: {  	_ =	swait.ge [sflag:s20], $0x1000  }
0xb8: {  	[sflag:s20] =	ssyncset.done $0x0  }
0xb9: {  	s15 =	sadd.s32 $0xEE80, s31;
	[sflag:s20] =	ssyncadd.s32 $0xFFFFF000  }
0xba: {  	[spmem:s3] =	stream.indirect.scatter.add.f32 [tilespmem:s23], [sflag:$0x3], $0x20, s15, s22, $0xb8;
	[tilespmem:$0x1FF80] =	vst v63  }
0xbb: {  	_ =	swait.ge [sflag:s17], $0x1000  }
0xbc: {  	[sflag:s17] =	ssyncset.done $0x0  }
0xbd: {  	s28 =	sadd.s32 $0xA100, s31;
	[sflag:s17] =	ssyncadd.s32 $0xFFFFF000  }
0xbe: {  	[tilespmem:s23], [sflag:$0x1] =	stream.indirect.gather [spmem:s2], $0x20, s28, s22, $0xb8;
	[tilespmem:$0x1FF80] =	vst v63  }
0xbf: {  	_ =	swait.ge [sflag:s21], $0x1000  }
0xc0: {  	[sflag:s21] =	ssyncset.done $0x0  }
0xc1: {  	s1 =	sadd.s32 $0xEF00, s31;
	[sflag:s21] =	ssyncadd.s32 $0xFFFFF000  }
0xc2: {  	[spmem:s3] =	stream.indirect.scatter.add.f32 [tilespmem:s24], [sflag:$0x3], $0x20, s1, s22, $0xb8;
	[tilespmem:$0x1FF80] =	vst v63  }
0xc3: {  	_ =	swait.ge [sflag:s17], $0x1000  }
0xc4: {  	[sflag:s17] =	ssyncset.done $0x0  }
0xc5: {  	[sflag:s17] =	ssyncadd.s32 $0xFFFFF000  }
0xc6: {  	_ =	swait.ge [sflag:s20], $0x1000  }
0xc7: {  	[sflag:s20] =	ssyncset.done $0x0  }
0xc8: {  	[sflag:s20] =	ssyncadd.s32 $0xFFFFF000  }
0xc9: {  	[spmem:s3] =	stream.indirect.scatter.add.f32 [tilespmem:s23], [sflag:$0x3], $0x20, s25, s22, $0xb8;
	[tilespmem:$0x1FF80] =	vst v63  }
0xca: {  	_ =	swait.ge [sflag:s17], $0x1000  }
0xcb: {  	[sflag:s17] =	ssyncset.done $0x0  }
0xcc: {  	s15 =	simm.s32 $0x0;
	[sflag:s17] =	ssyncadd.s32 $0xFFFFF000  }
0xcd: {  	v1 =	vmov s15;
	[bflag:$0x0] =	sbarrier.arrive $0xFFFF  }
0xce: {  	[tilespmem:s26], [sflag:$0x3] =	stream.linear.gather [spmem:s11], $0x5000, $0x38;
	[tilespmem:$0x1FF80] =	vst v63  }
0xcf: {  	_ =	swait.ge [sflag:s17], $0x5000  }
0xd0: {  	[sflag:s17] =	ssyncset.done $0x0  }
0xd1: {  	[sflag:s17] =	ssyncadd.s32 $0xFFFFB000  }
0xd2: {  	s31 =	simm.s32 $0x15D10;
	v1 =	vld.idx.msk [tilespmem:v1+s18+$0x0], $0xffff  }
0xd3: {  	v2 =	vld [tilespmem:s31+$0xFFFFFFF0]  }
0xd4: {  	v3 =	vld [tilespmem:s31+$0x0];
	_ =	sdelay $0x2  }
0xd5: {  	s28 =	simm.s32 $0x1;
	v4 =	vmul.f32 v1, v1  }
0xd6: {  	s1 =	simm.s32 $0x2;
	v1 =	vmov s28  }
.LBB2_10:
0xd7: {  	p0 =	sne.s32 s1, $0x27F;
	v2 =	vmul.f32 v4, v2;
	v3 =	vmul.f32 v3, v4;
	_ =	sdelay $0x1  }
0xd8: {  	[tilespmem:s31+$0xFFFFFFF0] =	vst v2  }
0xd9: {  	[tilespmem:s31+$0x0] =	vst v3  }
0xda: {  	v1 =	vld.idx.msk [tilespmem:v1+s18+$0x0], $0xffff  }
0xdb: {  	s31 =	sadd.s32 $0x20, s31  }
0xdc: {  	v2 =	vld [tilespmem:s31+$0xFFFFFFF0]  }
.Ltmp4:
0xdd: {  	v3 =	vld [tilespmem:s31+$0x0];
	(pc) =	sbr.rel @p0 .LBB2_10-.Ltmp4, $3  }
0xde: {  	_ =	sdelay $0x1  }
0xdf: {  	v4 =	vmul.f32 v1, v1  }
0xe0: {  	v1 =	vmov s1;
	s1 =	sadd.s32 $0x1, s1  }
0xe1: {  	v2 =	vmul.f32 v4, v2  }
0xe2: {  	v3 =	vmul.f32 v3, v4  }
0xe3: {  	[tilespmem:s31+$0xFFFFFFF0] =	vst v2  }
0xe4: {  	[tilespmem:s31+$0x0] =	vst v3  }
0xe5: {  	v1 =	vld.idx.msk [tilespmem:v1+s18+$0x0], $0xffff  }
0xe6: {  	s0 =	sadd.s32 $0x20, s31  }
0xe7: {  	v2 =	vld [tilespmem:s0+$0xFFFFFFF0]  }
0xe8: {  	v3 =	vld [tilespmem:s0+$0x0];
	_ =	sdelay $0x1  }
0xe9: {  	v1 =	vmul.f32 v1, v1;
	_ =	sdelay $0x1  }
0xea: {  	v2 =	vmul.f32 v1, v2  }
0xeb: {  	v1 =	vmul.f32 v3, v1  }
0xec: {  	[tilespmem:s0+$0xFFFFFFF0] =	vst v2  }
0xed: {  	[tilespmem:s0+$0x0] =	vst v1  }
0xee: {  	[spmem:s7] =	stream.linear.scatter [tilespmem:s26], [sflag:$0x3], $0x5000, $0x38;
	[tilespmem:$0x1FF80] =	vst v63  }
0xef: {  	_ =	swait.ge [sflag:s17], $0x5000  }
0xf0: {  	[sflag:s17] =	ssyncset.done $0x0  }
0xf1: {  	[sflag:s17] =	ssyncadd.s32 $0xFFFFB000  }
0xf2: {  	[spmem:s11] =	stream.linear.scatter [tilespmem:s19], [sflag:$0x3], $0x5000, $0x38;
	[tilespmem:$0x1FF80] =	vst v63  }
0xf3: {  	_ =	swait.ge [sflag:s17], $0x5000  }
0xf4: {  	[sflag:s17] =	ssyncset.done $0x0  }
0xf5: {  	[sflag:s17] =	ssyncadd.s32 $0xFFFFB000  }
0xf6: {  	[bflag:$0x0] =	sbarrier.arrive $0xFFFF  }
0xf7: {  	[tilespmem:s23], [sflag:$0x1] =	stream.indirect.gather [spmem:s2], $0x20, s14, s22, $0xb8;
	[tilespmem:$0x1FF80] =	vst v63  }
0xf8: {  	s28 =	simm.s32 $0xA080  }
0xf9: {  	[tilespmem:s24], [sflag:$0x2] =	stream.indirect.gather [spmem:s2], $0x20, s28, s22, $0xb8;
	[tilespmem:$0x1FF80] =	vst v63  }
0xfa: {  	_ =	swait.ge [sflag:s20], $0x1000  }
0xfb: {  	[sflag:s20] =	ssyncset.done $0x0  }
0xfc: {  	s1 =	simm.s32 $0xEE80;
	[sflag:s20] =	ssyncadd.s32 $0xFFFFF000  }
0xfd: {  	[spmem:s3] =	stream.indirect.scatter.add.f32 [tilespmem:s23], [sflag:$0x3], $0x20, s1, s22, $0xb8;
	[tilespmem:$0x1FF80] =	vst v63  }
0xfe: {  	_ =	swait.ge [sflag:s17], $0x1000  }
0xff: {  	[sflag:s17] =	ssyncset.done $0x0  }
0x100: {  	s15 =	simm.s32 $0xA100;
	[sflag:s17] =	ssyncadd.s32 $0xFFFFF000  }
0x101: {  	[tilespmem:s23], [sflag:$0x1] =	stream.indirect.gather [spmem:s2], $0x20, s15, s22, $0xb8;
	[tilespmem:$0x1FF80] =	vst v63  }
0x102: {  	_ =	swait.ge [sflag:s21], $0x1000  }
0x103: {  	[sflag:s21] =	ssyncset.done $0x0  }
0x104: {  	s28 =	simm.s32 $0xEF00;
	[sflag:s21] =	ssyncadd.s32 $0xFFFFF000  }
0x105: {  	[spmem:s3] =	stream.indirect.scatter.add.f32 [tilespmem:s24], [sflag:$0x3], $0x20, s28, s22, $0xb8;
	[tilespmem:$0x1FF80] =	vst v63  }
0x106: {  	_ =	swait.ge [sflag:s17], $0x1000  }
0x107: {  	s31 =	simm.s32 $0x100;
	s0 =	simm.s32 $0x800;
	[sflag:s17] =	ssyncset.done $0x0  }
.LBB2_12:
0x108: {  	s1 =	sadd.s32 $0xA080, s31  }
0x109: {  	[sflag:s17] =	ssyncadd.s32 $0xFFFFF000;
	s15 =	smov.u32 s0;
	s28 =	sadd.s32 $0x400, s0  }
0x10a: {  	[tilespmem:s24], [sflag:$0x2] =	stream.indirect.gather [spmem:s2], $0x20, s1, s22, $0xb8;
	[tilespmem:$0x1FF80] =	vst v63  }
0x10b: {  	p0 =	sne.s32 s0, $0x13400;
	_ =	swait.ge [sflag:s20], $0x1000  }
0x10c: {  	[sflag:s20] =	ssyncset.done $0x0  }
0x10d: {  	s0 =	sadd.s32 $0xEE80, s31;
	[sflag:s20] =	ssyncadd.s32 $0xFFFFF000  }
0x10e: {  	[spmem:s3] =	stream.indirect.scatter.add.f32 [tilespmem:s23], [sflag:$0x3], $0x20, s0, s22, $0xb8;
	[tilespmem:$0x1FF80] =	vst v63  }
0x10f: {  	_ =	swait.ge [sflag:s17], $0x1000  }
0x110: {  	[sflag:s17] =	ssyncset.done $0x0  }
0x111: {  	s0 =	sadd.s32 $0xA100, s31;
	[sflag:s17] =	ssyncadd.s32 $0xFFFFF000  }
0x112: {  	[tilespmem:s23], [sflag:$0x1] =	stream.indirect.gather [spmem:s2], $0x20, s0, s22, $0xb8;
	[tilespmem:$0x1FF80] =	vst v63  }
0x113: {  	_ =	swait.ge [sflag:s21], $0x1000  }
.Ltmp5:
0x114: {  	[sflag:s21] =	ssyncset.done $0x0;
	(pc) =	sbr.rel @p0 .LBB2_12-.Ltmp5, $4  }
0x115: {  	s0 =	sadd.s32 $0xEF00, s31;
	[sflag:s21] =	ssyncadd.s32 $0xFFFFF000  }
0x116: {  	[spmem:s3] =	stream.indirect.scatter.add.f32 [tilespmem:s24], [sflag:$0x3], $0x20, s0, s22, $0xb8;
	[tilespmem:$0x1FF80] =	vst v63  }
0x117: {  	_ =	swait.ge [sflag:s17], $0x1000  }
0x118: {  	s31 =	sshra.s32 s15, $0x2;
	s0 =	smov.u32 s28;
	[sflag:s17] =	ssyncset.done $0x0  }
0x119: {  	s0 =	sadd.s32 $0xA080, s31;
	[sflag:s17] =	ssyncadd.s32 $0xFFFFF000  }
0x11a: {  	[tilespmem:s24], [sflag:$0x2] =	stream.indirect.gather [spmem:s2], $0x20, s0, s22, $0xb8;
	[tilespmem:$0x1FF80] =	vst v63  }
0x11b: {  	_ =	swait.ge [sflag:s20], $0x1000  }
0x11c: {  	[sflag:s20] =	ssyncset.done $0x0  }
0x11d: {  	s15 =	sadd.s32 $0xEE80, s31;
	[sflag:s20] =	ssyncadd.s32 $0xFFFFF000  }
0x11e: {  	[spmem:s3] =	stream.indirect.scatter.add.f32 [tilespmem:s23], [sflag:$0x3], $0x20, s15, s22, $0xb8;
	[tilespmem:$0x1FF80] =	vst v63  }
0x11f: {  	_ =	swait.ge [sflag:s17], $0x1000  }
0x120: {  	[sflag:s17] =	ssyncset.done $0x0  }
0x121: {  	s28 =	sadd.s32 $0xA100, s31;
	[sflag:s17] =	ssyncadd.s32 $0xFFFFF000  }
0x122: {  	[tilespmem:s23], [sflag:$0x1] =	stream.indirect.gather [spmem:s2], $0x20, s28, s22, $0xb8;
	[tilespmem:$0x1FF80] =	vst v63  }
0x123: {  	_ =	swait.ge [sflag:s21], $0x1000  }
0x124: {  	[sflag:s21] =	ssyncset.done $0x0  }
0x125: {  	s1 =	sadd.s32 $0xEF00, s31;
	[sflag:s21] =	ssyncadd.s32 $0xFFFFF000  }
0x126: {  	[spmem:s3] =	stream.indirect.scatter.add.f32 [tilespmem:s24], [sflag:$0x3], $0x20, s1, s22, $0xb8;
	[tilespmem:$0x1FF80] =	vst v63  }
0x127: {  	_ =	swait.ge [sflag:s17], $0x1000  }
0x128: {  	[sflag:s17] =	ssyncset.done $0x0  }
0x129: {  	[sflag:s17] =	ssyncadd.s32 $0xFFFFF000  }
0x12a: {  	_ =	swait.ge [sflag:s20], $0x1000  }
0x12b: {  	[sflag:s20] =	ssyncset.done $0x0  }
0x12c: {  	[sflag:s20] =	ssyncadd.s32 $0xFFFFF000  }
0x12d: {  	[spmem:s3] =	stream.indirect.scatter.add.f32 [tilespmem:s23], [sflag:$0x3], $0x20, s25, s22, $0xb8;
	[tilespmem:$0x1FF80] =	vst v63  }
0x12e: {  	_ =	swait.ge [sflag:s17], $0x1000  }
0x12f: {  	[sflag:s17] =	ssyncset.done $0x0  }
0x130: {  	s15 =	simm.s32 $0x0;
	[sflag:s17] =	ssyncadd.s32 $0xFFFFF000  }
0x131: {  	v1 =	vmov s15;
	[bflag:$0x0] =	sbarrier.arrive $0xFFFF  }
0x132: {  	[tilespmem:s26], [sflag:$0x3] =	stream.linear.gather [spmem:s11], $0x5000, $0x38;
	[tilespmem:$0x1FF80] =	vst v63  }
0x133: {  	_ =	swait.ge [sflag:s17], $0x5000  }
0x134: {  	[sflag:s17] =	ssyncset.done $0x0  }
0x135: {  	[sflag:s17] =	ssyncadd.s32 $0xFFFFB000  }
0x136: {  	s31 =	simm.s32 $0x15D10;
	v1 =	vld.idx.msk [tilespmem:v1+s18+$0x0], $0xffff  }
0x137: {  	v2 =	vld [tilespmem:s31+$0xFFFFFFF0]  }
0x138: {  	v3 =	vld [tilespmem:s31+$0x0];
	_ =	sdelay $0x2  }
0x139: {  	s28 =	simm.s32 $0x1;
	v4 =	vmul.f32 v1, v1  }
0x13a: {  	s1 =	simm.s32 $0x2;
	v1 =	vmov s28  }
.LBB2_14:
0x13b: {  	p0 =	sne.s32 s1, $0x27F;
	v2 =	vmul.f32 v4, v2;
	v3 =	vmul.f32 v3, v4;
	_ =	sdelay $0x1  }
0x13c: {  	[tilespmem:s31+$0xFFFFFFF0] =	vst v2  }
0x13d: {  	[tilespmem:s31+$0x0] =	vst v3  }
0x13e: {  	v1 =	vld.idx.msk [tilespmem:v1+s18+$0x0], $0xffff  }
0x13f: {  	s31 =	sadd.s32 $0x20, s31  }
0x140: {  	v2 =	vld [tilespmem:s31+$0xFFFFFFF0]  }
.Ltmp6:
0x141: {  	v3 =	vld [tilespmem:s31+$0x0];
	(pc) =	sbr.rel @p0 .LBB2_14-.Ltmp6, $3  }
0x142: {  	_ =	sdelay $0x1  }
0x143: {  	v4 =	vmul.f32 v1, v1  }
0x144: {  	v1 =	vmov s1;
	s1 =	sadd.s32 $0x1, s1  }
0x145: {  	v2 =	vmul.f32 v4, v2  }
0x146: {  	v3 =	vmul.f32 v3, v4  }
0x147: {  	[tilespmem:s31+$0xFFFFFFF0] =	vst v2  }
0x148: {  	[tilespmem:s31+$0x0] =	vst v3  }
0x149: {  	v1 =	vld.idx.msk [tilespmem:v1+s18+$0x0], $0xffff  }
0x14a: {  	s0 =	sadd.s32 $0x20, s31  }
0x14b: {  	v2 =	vld [tilespmem:s0+$0xFFFFFFF0]  }
0x14c: {  	v3 =	vld [tilespmem:s0+$0x0];
	_ =	sdelay $0x1  }
0x14d: {  	v1 =	vmul.f32 v1, v1;
	_ =	sdelay $0x1  }
0x14e: {  	v2 =	vmul.f32 v1, v2  }
0x14f: {  	v1 =	vmul.f32 v3, v1  }
0x150: {  	[tilespmem:s0+$0xFFFFFFF0] =	vst v2  }
0x151: {  	[tilespmem:s0+$0x0] =	vst v1  }
0x152: {  	[spmem:s7] =	stream.linear.scatter [tilespmem:s26], [sflag:$0x3], $0x5000, $0x38;
	[tilespmem:$0x1FF80] =	vst v63  }
0x153: {  	_ =	swait.ge [sflag:s17], $0x5000  }
0x154: {  	[sflag:s17] =	ssyncset.done $0x0  }
0x155: {  	[sflag:s17] =	ssyncadd.s32 $0xFFFFB000  }
0x156: {  	[spmem:s11] =	stream.linear.scatter [tilespmem:s19], [sflag:$0x3], $0x5000, $0x38;
	[tilespmem:$0x1FF80] =	vst v63  }
0x157: {  	_ =	swait.ge [sflag:s17], $0x5000  }
0x158: {  	[sflag:s17] =	ssyncset.done $0x0  }
0x159: {  	[sflag:s17] =	ssyncadd.s32 $0xFFFFB000  }
0x15a: {  	[bflag:$0x0] =	sbarrier.arrive $0xFFFF  }
0x15b: {  	[tilespmem:s23], [sflag:$0x1] =	stream.indirect.gather [spmem:s2], $0x20, s14, s22, $0xb8;
	[tilespmem:$0x1FF80] =	vst v63  }
0x15c: {  	s28 =	simm.s32 $0xA080  }
0x15d: {  	[tilespmem:s24], [sflag:$0x2] =	stream.indirect.gather [spmem:s2], $0x20, s28, s22, $0xb8;
	[tilespmem:$0x1FF80] =	vst v63  }
0x15e: {  	_ =	swait.ge [sflag:s20], $0x1000  }
0x15f: {  	[sflag:s20] =	ssyncset.done $0x0  }
0x160: {  	s1 =	simm.s32 $0xEE80;
	[sflag:s20] =	ssyncadd.s32 $0xFFFFF000  }
0x161: {  	[spmem:s3] =	stream.indirect.scatter.add.f32 [tilespmem:s23], [sflag:$0x3], $0x20, s1, s22, $0xb8;
	[tilespmem:$0x1FF80] =	vst v63  }
0x162: {  	_ =	swait.ge [sflag:s17], $0x1000  }
0x163: {  	[sflag:s17] =	ssyncset.done $0x0  }
0x164: {  	s15 =	simm.s32 $0xA100;
	[sflag:s17] =	ssyncadd.s32 $0xFFFFF000  }
0x165: {  	[tilespmem:s23], [sflag:$0x1] =	stream.indirect.gather [spmem:s2], $0x20, s15, s22, $0xb8;
	[tilespmem:$0x1FF80] =	vst v63  }
0x166: {  	_ =	swait.ge [sflag:s21], $0x1000  }
0x167: {  	[sflag:s21] =	ssyncset.done $0x0  }
0x168: {  	s28 =	simm.s32 $0xEF00;
	[sflag:s21] =	ssyncadd.s32 $0xFFFFF000  }
0x169: {  	[spmem:s3] =	stream.indirect.scatter.add.f32 [tilespmem:s24], [sflag:$0x3], $0x20, s28, s22, $0xb8;
	[tilespmem:$0x1FF80] =	vst v63  }
0x16a: {  	_ =	swait.ge [sflag:s17], $0x1000  }
0x16b: {  	s31 =	simm.s32 $0x100;
	s0 =	simm.s32 $0x800;
	[sflag:s17] =	ssyncset.done $0x0  }
.LBB2_16:
0x16c: {  	s1 =	sadd.s32 $0xA080, s31  }
0x16d: {  	[sflag:s17] =	ssyncadd.s32 $0xFFFFF000;
	s15 =	smov.u32 s0;
	s28 =	sadd.s32 $0x400, s0  }
0x16e: {  	[tilespmem:s24], [sflag:$0x2] =	stream.indirect.gather [spmem:s2], $0x20, s1, s22, $0xb8;
	[tilespmem:$0x1FF80] =	vst v63  }
0x16f: {  	p0 =	sne.s32 s0, $0x13400;
	_ =	swait.ge [sflag:s20], $0x1000  }
0x170: {  	[sflag:s20] =	ssyncset.done $0x0  }
0x171: {  	s0 =	sadd.s32 $0xEE80, s31;
	[sflag:s20] =	ssyncadd.s32 $0xFFFFF000  }
0x172: {  	[spmem:s3] =	stream.indirect.scatter.add.f32 [tilespmem:s23], [sflag:$0x3], $0x20, s0, s22, $0xb8;
	[tilespmem:$0x1FF80] =	vst v63  }
0x173: {  	_ =	swait.ge [sflag:s17], $0x1000  }
0x174: {  	[sflag:s17] =	ssyncset.done $0x0  }
0x175: {  	s0 =	sadd.s32 $0xA100, s31;
	[sflag:s17] =	ssyncadd.s32 $0xFFFFF000  }
0x176: {  	[tilespmem:s23], [sflag:$0x1] =	stream.indirect.gather [spmem:s2], $0x20, s0, s22, $0xb8;
	[tilespmem:$0x1FF80] =	vst v63  }
0x177: {  	_ =	swait.ge [sflag:s21], $0x1000  }
.Ltmp7:
0x178: {  	[sflag:s21] =	ssyncset.done $0x0;
	(pc) =	sbr.rel @p0 .LBB2_16-.Ltmp7, $4  }
0x179: {  	s0 =	sadd.s32 $0xEF00, s31;
	[sflag:s21] =	ssyncadd.s32 $0xFFFFF000  }
0x17a: {  	[spmem:s3] =	stream.indirect.scatter.add.f32 [tilespmem:s24], [sflag:$0x3], $0x20, s0, s22, $0xb8;
	[tilespmem:$0x1FF80] =	vst v63  }
0x17b: {  	_ =	swait.ge [sflag:s17], $0x1000  }
0x17c: {  	s31 =	sshra.s32 s15, $0x2;
	s0 =	smov.u32 s28;
	[sflag:s17] =	ssyncset.done $0x0  }
0x17d: {  	s0 =	sadd.s32 $0xA080, s31;
	[sflag:s17] =	ssyncadd.s32 $0xFFFFF000  }
0x17e: {  	[tilespmem:s24], [sflag:$0x2] =	stream.indirect.gather [spmem:s2], $0x20, s0, s22, $0xb8;
	[tilespmem:$0x1FF80] =	vst v63  }
0x17f: {  	_ =	swait.ge [sflag:s20], $0x1000  }
0x180: {  	[sflag:s20] =	ssyncset.done $0x0  }
0x181: {  	s15 =	sadd.s32 $0xEE80, s31;
	[sflag:s20] =	ssyncadd.s32 $0xFFFFF000  }
0x182: {  	[spmem:s3] =	stream.indirect.scatter.add.f32 [tilespmem:s23], [sflag:$0x3], $0x20, s15, s22, $0xb8;
	[tilespmem:$0x1FF80] =	vst v63  }
0x183: {  	_ =	swait.ge [sflag:s17], $0x1000  }
0x184: {  	[sflag:s17] =	ssyncset.done $0x0  }
0x185: {  	s28 =	sadd.s32 $0xA100, s31;
	[sflag:s17] =	ssyncadd.s32 $0xFFFFF000  }
0x186: {  	[tilespmem:s23], [sflag:$0x1] =	stream.indirect.gather [spmem:s2], $0x20, s28, s22, $0xb8;
	[tilespmem:$0x1FF80] =	vst v63  }
0x187: {  	_ =	swait.ge [sflag:s21], $0x1000  }
0x188: {  	[sflag:s21] =	ssyncset.done $0x0  }
0x189: {  	s1 =	sadd.s32 $0xEF00, s31;
	[sflag:s21] =	ssyncadd.s32 $0xFFFFF000  }
0x18a: {  	[spmem:s3] =	stream.indirect.scatter.add.f32 [tilespmem:s24], [sflag:$0x3], $0x20, s1, s22, $0xb8;
	[tilespmem:$0x1FF80] =	vst v63  }
0x18b: {  	_ =	swait.ge [sflag:s17], $0x1000  }
0x18c: {  	[sflag:s17] =	ssyncset.done $0x0  }
0x18d: {  	[sflag:s17] =	ssyncadd.s32 $0xFFFFF000  }
0x18e: {  	_ =	swait.ge [sflag:s20], $0x1000  }
0x18f: {  	[sflag:s20] =	ssyncset.done $0x0  }
0x190: {  	[sflag:s20] =	ssyncadd.s32 $0xFFFFF000  }
0x191: {  	[spmem:s3] =	stream.indirect.scatter.add.f32 [tilespmem:s23], [sflag:$0x3], $0x20, s25, s22, $0xb8;
	[tilespmem:$0x1FF80] =	vst v63  }
0x192: {  	_ =	swait.ge [sflag:s17], $0x1000  }
0x193: {  	[sflag:s17] =	ssyncset.done $0x0  }
0x194: {  	[sflag:s17] =	ssyncadd.s32 $0xFFFFF000  }
0x195: {  	s15 =	simm.s32 $0x0;
	[bflag:$0x0] =	sbarrier.arrive $0xFFFF  }
0x196: {  	v1 =	vmov s15;
	[tilespmem:s26], [sflag:$0x3] =	stream.linear.gather [spmem:s11], $0x5000, $0x38;
	[tilespmem:$0x1FF80] =	vst v63  }
0x197: {  	_ =	swait.ge [sflag:s17], $0x5000  }
0x198: {  	[sflag:s17] =	ssyncset.done $0x0  }
0x199: {  	s31 =	simm.s32 $0x15D10;
	[sflag:s17] =	ssyncadd.s32 $0xFFFFB000  }
0x19a: {  	v2 =	vld [tilespmem:s31+$0xFFFFFFF0]  }
0x19b: {  	v3 =	vld.idx.msk [tilespmem:v1+s18+$0x0], $0xffff  }
0x19c: {  	v4 =	vld [tilespmem:s31+$0x0];
	_ =	sdelay $0x2  }
0x19d: {  	s28 =	simm.s32 $0x1  }
0x19e: {  	s0 =	simm.s32 $0x2;
	s1 =	simm.s32 $0x15D10;
	v1 =	vmov s28  }
.LBB2_18:
0x19f: {  	p0 =	sne.s32 s0, $0x27F;
	v2 =	vmul.f32 v2, v3;
	v3 =	vmul.f32 v4, v3;
	_ =	sdelay $0x1  }
0x1a0: {  	s1 =	sadd.s32 $0x20, s1;
	[tilespmem:s31+$0xFFFFFFF0] =	vst v2  }
0x1a1: {  	v2 =	vld [tilespmem:s1+$0xFFFFFFF0];
	[tilespmem:s31+$0x0] =	vst v3;
	s31 =	smov.u32 s1  }
0x1a2: {  	v3 =	vld.idx.msk [tilespmem:v1+s18+$0x0], $0xffff  }
.Ltmp8:
0x1a3: {  	v4 =	vld [tilespmem:s1+$0x0];
	(pc) =	sbr.rel @p0 .LBB2_18-.Ltmp8, $2  }
0x1a4: {  	_ =	sdelay $0x2  }
0x1a5: {  	v1 =	vmov s0;
	s0 =	sadd.s32 $0x1, s0  }
0x1a6: {  	v2 =	vmul.f32 v2, v3  }
0x1a7: {  	v3 =	vmul.f32 v4, v3  }
0x1a8: {  	s0 =	sadd.s32 $0x20, s1;
	[tilespmem:s31+$0xFFFFFFF0] =	vst v2  }
0x1a9: {  	v2 =	vld [tilespmem:s0+$0xFFFFFFF0];
	[tilespmem:s31+$0x0] =	vst v3  }
0x1aa: {  	v1 =	vld.idx.msk [tilespmem:v1+s18+$0x0], $0xffff  }
0x1ab: {  	v3 =	vld [tilespmem:s0+$0x0];
	_ =	sdelay $0x3  }
0x1ac: {  	v2 =	vmul.f32 v2, v1  }
0x1ad: {  	s30 =	sadd.s32 $0x1, s30;
	v1 =	vmul.f32 v3, v1  }
0x1ae: {  	p0 =	sne.s32 s30, s13;
	[tilespmem:s0+$0xFFFFFFF0] =	vst v2  }
.Ltmp9:
0x1af: {  	s31 =	simm.s32 $0x20;
	[tilespmem:s0+$0x0] =	vst v1;
	(pc) =	sbr.rel @p0 .LBB2_1-.Ltmp9, $4  }
0x1b0: {  	[hbm4b:s12+s31] =	stream.strided.scatter [tilespmem:s26], [sflag:$0x3], $0x5000, s29, s31, $0x38;
	[tilespmem:$0x1FF80] =	vst v63  }
0x1b1: {  	_ =	swait.ge [sflag:s17], $0x5000  }
0x1b2: {  	[sflag:s17] =	ssyncset.done $0x0  }
0x1b3: {  	[sflag:s17] =	ssyncadd.s32 $0xFFFFB000  }
0x1b4: {  	_ =	sfence.sel $0x180000  }
0x1b5: {  	[bflag:$0x0] =	sbarrier.arrive $0xFFFF  }
0x1b6: {  	_ =	strace $0x9000004A  }
0x1b7: {  	s0 =	stileid.u32;
	[bflag:$0x2] =	sbarrier.arrive $0xFFFF  }
0x1b8: {  	p0 =	sne.s32 s0, $0x0;
	s0 =	rddreg [dreg:$0x4]  }
0x1b9: {  	s0 =	sadd.s32 @!p0 $0x100000, s0  }
0x1ba: {  	[sflag:s0] =	ssyncadd.tile.s32 @!p0 $0x1;
	_ =	shalt  }
.Lfunc_end2:
_tile_overlayer_lowered:
.L_overlay_start_2:
0x1bb: {  	(tag) =	ssettag $0x2  }
0x1bc: {  	s0 =	rddreg [dreg:$0x0];
	s2 =	stileid.u32  }
0x1bd: {  	s1 =	rddreg [dreg:$0x1];
	p0 =	sne.s32 s2, $0x0  }
0x1be: {  	s3 =	rddreg [dreg:$0x2];
	[bflag:$0x3] =	sbarrier.arrive $0xFFFF;
	s2 =	simm.s32 @!p0 $0x1C03  }
0x1bf: {  	[timem:s3], [sflag:s2] =	dma.local @!p0 [hbm:s0], s1  }
0x1c0: {  	s0 =	simm.s32 @!p0 $0x3  }
0x1c1: {  	_ =	swait.ge @!p0 [sflag:s0], s1  }
0x1c2: {  	s1 =	ssub.s32 @!p0 $0x0, s1;
	[sflag:s0] =	ssyncset.done @!p0 $0x0  }
0x1c3: {  	[sflag:s0] =	ssyncadd.s32 @!p0 s1  }
0x1c4: {  	[bflag:$0x3] =	sbarrier.arrive $0xFFFF  }
0x1c5: {  	_ =	shalt  }

</sc_bundles>
